<compile_context>
chip_gen: v7x
topology: tpu7x:2x2x1
jax: 0.10.2.dev20260603
libtpu: 0.0.44.dev20260713+nightly
codegen_flags: <defaults>
</compile_context>

<pallas_src>
import functools

import jax
import jax.numpy as jnp
from jax import lax
from jax.experimental import pallas as pl
from jax.experimental.pallas import tpu as pltpu
from jax.experimental.pallas import tpu_sc as plsc

B, S, H, D = 8, 2048, 8, 128
ROWS = B * S
NW = 32
RPW = ROWS // NW
CHUNK_OFFS = tuple(range(0, 504, 56)) + (504,)
CHUNK_SIZES = (56,) * 9 + (8,)
NCHUNK = len(CHUNK_OFFS)



def _tc_body(len_ref, ck, kt, ok):
    b = pl.program_id(0)
    ok[...] = ck[...]
    l = len_ref[b]
    ok[0, pl.ds(l, 1)] = kt[pl.ds(b, 1), 0]


def _tc_key(cached_key, key_token, lengths):
    out_sds = jax.ShapeDtypeStruct((B, S, H, D), jnp.float32)
    cache_spec = pl.BlockSpec((1, S, H, D), lambda b: (b, 0, 0, 0))
    token_spec = pl.BlockSpec((B, 1, H, D), lambda b: (0, 0, 0, 0))
    return pl.pallas_call(
        _tc_body,
        grid=(B,),
        in_specs=[
            pl.BlockSpec(memory_space=pltpu.SMEM),
            cache_spec,
            token_spec,
        ],
        out_specs=cache_spec,
        out_shape=out_sds,
        compiler_params=pltpu.CompilerParams(
            dimension_semantics=("parallel",),
            vmem_limit_bytes=60 * 1024 * 1024,
        ),
    )(lengths, cached_key, key_token)



_SC_MESH = plsc.VectorSubcoreMesh(core_axis_name="c", subcore_axis_name="s")


@functools.partial(
    pl.kernel,
    out_type=jax.ShapeDtypeStruct((ROWS, H * D), jnp.float32),
    mesh=_SC_MESH,
    compiler_params=pltpu.CompilerParams(needs_layout_passes=False),
    scratch_types=[
        pltpu.VMEM_SHARED((16, 2, 56, H * D), jnp.float32),
        pltpu.VMEM((16,), jnp.int32),
        pltpu.SemaphoreType.DMA,
        pltpu.SemaphoreType.DMA,
    ],
)
def _sc_value(cv2d, vt2d, len16, out, ring, len_v, sin, sout):
    cid = lax.axis_index("c")
    sid = lax.axis_index("s")
    wid = sid * 2 + cid
    base = wid * RPW

    pltpu.sync_copy(len16, len_v)

    def _load(i):
        n = CHUNK_SIZES[i]
        return pltpu.make_async_copy(
            cv2d.at[pl.ds(base + CHUNK_OFFS[i], n)],
            ring.at[sid, i % 2, pl.ds(0, n)],
            sin,
        )

    def _store(i):
        n = CHUNK_SIZES[i]
        return pltpu.make_async_copy(
            ring.at[sid, i % 2, pl.ds(0, n)],
            out.at[pl.ds(base + CHUNK_OFFS[i], n)],
            sout,
        )

    _load(0).start()
    for i in range(NCHUNK):
        if i + 1 < NCHUNK:
            if i >= 1:
                _store(i - 1).wait()
            _load(i + 1).start()
        _load(i).wait()
        _store(i).start()
    for i in range(NCHUNK - 2, NCHUNK):
        _store(i).wait()

    pltpu.sync_copy(vt2d, ring.at[sid, 0, pl.ds(0, B)])
    lens = len_v[...]
    lane = lax.broadcasted_iota(jnp.int32, (16,), 0)
    for b in range(B):
        l_b = jnp.max(jnp.where(lane == b, lens, -1))
        row = b * S + l_b

        @pl.when((row >= base) & (row < base + RPW))
        def _(row=row, b=b):
            pltpu.sync_copy(ring.at[sid, 0, pl.ds(b, 1)], out.at[pl.ds(row, 1)])


def kernel(cached_key, cached_value, key_token, value_token, lengths):
    len16 = jnp.concatenate([lengths, jnp.zeros((8,), jnp.int32)])
    new_value = _sc_value(
        cached_value.reshape(ROWS, H * D),
        value_token.reshape(B, H * D),
        len16,
    )
    new_key = _tc_key(cached_key, key_token, lengths)
    return (new_key, new_value.reshape(B, S, H, D))

# --- scband reference (transcript-rebuilt; emitter-appended) ---
"""Pipeline reference for scband-kvcache-50869592655593 (READ-ONLY COPY).

The authoritative reference and input builder live on the scoring server;
editing this copy changes nothing except your own understanding.
"""

import jax, jax.numpy as jnp
import numpy as np

APPEND_DIM_ORDER = (0, 1, 2, 3)


def setup_inputs(seed: int = 0) -> dict:
    key = jax.random.key(seed)
    k1, k2, k3 = jax.random.split(key, 3)
    B, S, H, D = 8, 2048, 8, 128
    return {
        "cached_key": jnp.zeros((B, S, H, D), dtype=jnp.float32),
        "cached_value": jnp.zeros((B, S, H, D), dtype=jnp.float32),
        "key_token": jax.random.normal(k1, (B, 1, H, D), dtype=jnp.float32),
        "value_token": jax.random.normal(k2, (B, 1, H, D), dtype=jnp.float32),
        "lengths": jax.random.randint(k3, (B,), 0, S, dtype=jnp.int32),
    }


def reference(cached_key, cached_value, key_token, value_token, lengths):
    # append_key_value: add a single token's K/V to the autoregressive kv cache.
    # Transpose incoming token to cache layout per append_dim_order (identity here),
    # then scatter-overwrite into the cache at per-batch position `lengths`.
    kvcache_key = jnp.transpose(key_token, APPEND_DIM_ORDER)
    kvcache_value = jnp.transpose(value_token, APPEND_DIM_ORDER)
    b = jnp.arange(cached_key.shape[0])
    new_key = cached_key.at[b, lengths].set(kvcache_key[:, 0])
    new_value = cached_value.at[b, lengths].set(kvcache_value[:, 0])
    return (new_key, new_value)

if __name__ == "__main__":
    import jax
    _d = setup_inputs()
    print(jax.jit(kernel)(*tuple(_d.values())))

</pallas_src>

<mosaic_0001>
#map = affine_map<(d0, d1) -> (0, 0)>
#map1 = affine_map<(d0, d1) -> (0)>
module attributes {stable_mosaic.version = 14 : i64} {
  func.func @_sc_value(%arg0: i32, %arg1: i32, %arg2: memref<16384x1024xf32, #tpu.memory_space<hbm>>, %arg3: memref<8x1024xf32, #tpu.memory_space<hbm>>, %arg4: memref<16xi32, #tpu.memory_space<hbm>>, %arg5: memref<16384x1024xf32, #tpu.memory_space<hbm>>, %arg6: memref<16x2x56x1024xf32, #tpu.memory_space<vmem_shared>>, %arg7: memref<16xi32, #tpu.memory_space<vmem>>, %arg8: memref<!tpu.dma_semaphore, #tpu.memory_space<semaphore_mem>>, %arg9: memref<!tpu.dma_semaphore, #tpu.memory_space<semaphore_mem>>) attributes {dimension_semantics = [#tpu.dimension_semantics<core_parallel>, #tpu.dimension_semantics<subcore_parallel>], iteration_bounds = array<i64: 2, 16>, scalar_prefetch = 0 : i64, scratch_operands = 4 : i64, tpu.core_type = #tpu.core_type<sc_vector_subcore>, window_params = [{transform_indices = #map}, {transform_indices = #map}, {transform_indices = #map1}, {transform_indices = #map}]} {
    %mul3A = arith.constant 2 : i32
    %mul3A_0 = arith.muli %arg1, %mul3A : i32
    %add3A = arith.addi %mul3A_0, %arg0 : i32
    %mul3A_1 = arith.constant 512 : i32
    %mul3A_2 = arith.muli %add3A, %mul3A_1 : i32
    "tpu.region"() ({
      %run_scoped3A_544 = tpu.sem_alloc : memref<!tpu.dma_semaphore, #tpu.memory_space<semaphore_mem>>
      tpu.enqueue_dma source(%arg4 : memref<16xi32, #tpu.memory_space<hbm>>) target(%arg7 : memref<16xi32, #tpu.memory_space<vmem>>) target_semaphore(%run_scoped3A_544 : memref<!tpu.dma_semaphore, #tpu.memory_space<semaphore_mem>>)
      tpu.wait_dma2 semaphore(%run_scoped3A_544 : memref<!tpu.dma_semaphore, #tpu.memory_space<semaphore_mem>>) src(%arg4 : memref<16xi32, #tpu.memory_space<hbm>>) dst(%arg7 : memref<16xi32, #tpu.memory_space<vmem>>)
      tpu.yield
    }) : () -> ()
    %add3A_3 = arith.constant 0 : i32
    %add3A_4 = arith.addi %mul3A_2, %add3A_3 : i32
    %dma_start3A = arith.constant 0 : i32
    %dma_start3A_5 = arith.constant 0 : i32
    %dma_start3A_6 = arith.constant 0 : i32
    %dma_start3A_7 = tpu.memref_slice %arg6[%arg1, %dma_start3A, %dma_start3A_5, %dma_start3A_6] : memref<16x2x56x1024xf32, #tpu.memory_space<vmem_shared>> -> memref<1x1x56x1024xf32, #tpu.memory_space<vmem_shared>>
    %dma_start3A_8 = tpu.memref_squeeze %dma_start3A_7 : memref<1x1x56x1024xf32, #tpu.memory_space<vmem_shared>> -> memref<56x1024xf32, #tpu.memory_space<vmem_shared>>
    %dma_start3A_9 = arith.constant 0 : i32
    %dma_start3A_10 = tpu.memref_slice %arg2[%add3A_4, %dma_start3A_9] : memref<16384x1024xf32, #tpu.memory_space<hbm>> -> memref<56x1024xf32, #tpu.memory_space<hbm>>
    tpu.enqueue_dma source(%dma_start3A_10 : memref<56x1024xf32, #tpu.memory_space<hbm>>) target(%dma_start3A_8 : memref<56x1024xf32, #tpu.memory_space<vmem_shared>>) target_semaphore(%arg8 : memref<!tpu.dma_semaphore, #tpu.memory_space<semaphore_mem>>)
    %add3A_11 = arith.constant 56 : i32
    %add3A_12 = arith.addi %mul3A_2, %add3A_11 : i32
    %dma_start3A_13 = arith.constant 1 : i32
    %dma_start3A_14 = arith.constant 0 : i32
    %dma_start3A_15 = arith.constant 0 : i32
    %dma_start3A_16 = tpu.memref_slice %arg6[%arg1, %dma_start3A_13, %dma_start3A_14, %dma_start3A_15] : memref<16x2x56x1024xf32, #tpu.memory_space<vmem_shared>> -> memref<1x1x56x1024xf32, #tpu.memory_space<vmem_shared>>
    %dma_start3A_17 = tpu.memref_squeeze %dma_start3A_16 : memref<1x1x56x1024xf32, #tpu.memory_space<vmem_shared>> -> memref<56x1024xf32, #tpu.memory_space<vmem_shared>>
    %dma_start3A_18 = arith.constant 0 : i32
    %dma_start3A_19 = tpu.memref_slice %arg2[%add3A_12, %dma_start3A_18] : memref<16384x1024xf32, #tpu.memory_space<hbm>> -> memref<56x1024xf32, #tpu.memory_space<hbm>>
    tpu.enqueue_dma source(%dma_start3A_19 : memref<56x1024xf32, #tpu.memory_space<hbm>>) target(%dma_start3A_17 : memref<56x1024xf32, #tpu.memory_space<vmem_shared>>) target_semaphore(%arg8 : memref<!tpu.dma_semaphore, #tpu.memory_space<semaphore_mem>>)
    %add3A_20 = arith.constant 0 : i32
    %add3A_21 = arith.addi %mul3A_2, %add3A_20 : i32
    %dma_wait3A = arith.constant 0 : i32
    %dma_wait3A_22 = arith.constant 0 : i32
    %dma_wait3A_23 = arith.constant 0 : i32
    %dma_wait3A_24 = tpu.memref_slice %arg6[%arg1, %dma_wait3A, %dma_wait3A_22, %dma_wait3A_23] : memref<16x2x56x1024xf32, #tpu.memory_space<vmem_shared>> -> memref<1x1x56x1024xf32, #tpu.memory_space<vmem_shared>>
    %dma_wait3A_25 = tpu.memref_squeeze %dma_wait3A_24 : memref<1x1x56x1024xf32, #tpu.memory_space<vmem_shared>> -> memref<56x1024xf32, #tpu.memory_space<vmem_shared>>
    %dma_wait3A_26 = arith.constant 0 : i32
    %dma_wait3A_27 = tpu.memref_slice %arg2[%add3A_21, %dma_wait3A_26] : memref<16384x1024xf32, #tpu.memory_space<hbm>> -> memref<56x1024xf32, #tpu.memory_space<hbm>>
    tpu.wait_dma2 semaphore(%arg8 : memref<!tpu.dma_semaphore, #tpu.memory_space<semaphore_mem>>) src(%dma_wait3A_27 : memref<56x1024xf32, #tpu.memory_space<hbm>>) dst(%dma_wait3A_25 : memref<56x1024xf32, #tpu.memory_space<vmem_shared>>)
    %add3A_28 = arith.constant 0 : i32
    %add3A_29 = arith.addi %mul3A_2, %add3A_28 : i32
    %dma_start3A_30 = arith.constant 0 : i32
    %dma_start3A_31 = arith.constant 0 : i32
    %dma_start3A_32 = tpu.memref_slice %arg5[%add3A_29, %dma_start3A_31] : memref<16384x1024xf32, #tpu.memory_space<hbm>> -> memref<56x1024xf32, #tpu.memory_space<hbm>>
    %dma_start3A_33 = arith.constant 0 : i32
    %dma_start3A_34 = arith.constant 0 : i32
    %dma_start3A_35 = tpu.memref_slice %arg6[%arg1, %dma_start3A_30, %dma_start3A_33, %dma_start3A_34] : memref<16x2x56x1024xf32, #tpu.memory_space<vmem_shared>> -> memref<1x1x56x1024xf32, #tpu.memory_space<vmem_shared>>
    %dma_start3A_36 = tpu.memref_squeeze %dma_start3A_35 : memref<1x1x56x1024xf32, #tpu.memory_space<vmem_shared>> -> memref<56x1024xf32, #tpu.memory_space<vmem_shared>>
    tpu.enqueue_dma source(%dma_start3A_36 : memref<56x1024xf32, #tpu.memory_space<vmem_shared>>) target(%dma_start3A_32 : memref<56x1024xf32, #tpu.memory_space<hbm>>) target_semaphore(%arg9 : memref<!tpu.dma_semaphore, #tpu.memory_space<semaphore_mem>>)
    %add3A_37 = arith.constant 0 : i32
    %add3A_38 = arith.addi %mul3A_2, %add3A_37 : i32
    %dma_wait3A_39 = arith.constant 0 : i32
    %dma_wait3A_40 = arith.constant 0 : i32
    %dma_wait3A_41 = tpu.memref_slice %arg5[%add3A_38, %dma_wait3A_40] : memref<16384x1024xf32, #tpu.memory_space<hbm>> -> memref<56x1024xf32, #tpu.memory_space<hbm>>
    %dma_wait3A_42 = arith.constant 0 : i32
    %dma_wait3A_43 = arith.constant 0 : i32
    %dma_wait3A_44 = tpu.memref_slice %arg6[%arg1, %dma_wait3A_39, %dma_wait3A_42, %dma_wait3A_43] : memref<16x2x56x1024xf32, #tpu.memory_space<vmem_shared>> -> memref<1x1x56x1024xf32, #tpu.memory_space<vmem_shared>>
    %dma_wait3A_45 = tpu.memref_squeeze %dma_wait3A_44 : memref<1x1x56x1024xf32, #tpu.memory_space<vmem_shared>> -> memref<56x1024xf32, #tpu.memory_space<vmem_shared>>
    tpu.wait_dma2 semaphore(%arg9 : memref<!tpu.dma_semaphore, #tpu.memory_space<semaphore_mem>>) src(%dma_wait3A_45 : memref<56x1024xf32, #tpu.memory_space<vmem_shared>>) dst(%dma_wait3A_41 : memref<56x1024xf32, #tpu.memory_space<hbm>>)
    %add3A_46 = arith.constant 112 : i32
    %add3A_47 = arith.addi %mul3A_2, %add3A_46 : i32
    %dma_start3A_48 = arith.constant 0 : i32
    %dma_start3A_49 = arith.constant 0 : i32
    %dma_start3A_50 = arith.constant 0 : i32
    %dma_start3A_51 = tpu.memref_slice %arg6[%arg1, %dma_start3A_48, %dma_start3A_49, %dma_start3A_50] : memref<16x2x56x1024xf32, #tpu.memory_space<vmem_shared>> -> memref<1x1x56x1024xf32, #tpu.memory_space<vmem_shared>>
    %dma_start3A_52 = tpu.memref_squeeze %dma_start3A_51 : memref<1x1x56x1024xf32, #tpu.memory_space<vmem_shared>> -> memref<56x1024xf32, #tpu.memory_space<vmem_shared>>
    %dma_start3A_53 = arith.constant 0 : i32
    %dma_start3A_54 = tpu.memref_slice %arg2[%add3A_47, %dma_start3A_53] : memref<16384x1024xf32, #tpu.memory_space<hbm>> -> memref<56x1024xf32, #tpu.memory_space<hbm>>
    tpu.enqueue_dma source(%dma_start3A_54 : memref<56x1024xf32, #tpu.memory_space<hbm>>) target(%dma_start3A_52 : memref<56x1024xf32, #tpu.memory_space<vmem_shared>>) target_semaphore(%arg8 : memref<!tpu.dma_semaphore, #tpu.memory_space<semaphore_mem>>)
    %add3A_55 = arith.constant 56 : i32
    %add3A_56 = arith.addi %mul3A_2, %add3A_55 : i32
    %dma_wait3A_57 = arith.constant 1 : i32
    %dma_wait3A_58 = arith.constant 0 : i32
    %dma_wait3A_59 = arith.constant 0 : i32
    %dma_wait3A_60 = tpu.memref_slice %arg6[%arg1, %dma_wait3A_57, %dma_wait3A_58, %dma_wait3A_59] : memref<16x2x56x1024xf32, #tpu.memory_space<vmem_shared>> -> memref<1x1x56x1024xf32, #tpu.memory_space<vmem_shared>>
    %dma_wait3A_61 = tpu.memref_squeeze %dma_wait3A_60 : memref<1x1x56x1024xf32, #tpu.memory_space<vmem_shared>> -> memref<56x1024xf32, #tpu.memory_space<vmem_shared>>
    %dma_wait3A_62 = arith.constant 0 : i32
    %dma_wait3A_63 = tpu.memref_slice %arg2[%add3A_56, %dma_wait3A_62] : memref<16384x1024xf32, #tpu.memory_space<hbm>> -> memref<56x1024xf32, #tpu.memory_space<hbm>>
    tpu.wait_dma2 semaphore(%arg8 : memref<!tpu.dma_semaphore, #tpu.memory_space<semaphore_mem>>) src(%dma_wait3A_63 : memref<56x1024xf32, #tpu.memory_space<hbm>>) dst(%dma_wait3A_61 : memref<56x1024xf32, #tpu.memory_space<vmem_shared>>)
    %add3A_64 = arith.constant 56 : i32
    %add3A_65 = arith.addi %mul3A_2, %add3A_64 : i32
    %dma_start3A_66 = arith.constant 1 : i32
    %dma_start3A_67 = arith.constant 0 : i32
    %dma_start3A_68 = tpu.memref_slice %arg5[%add3A_65, %dma_start3A_67] : memref<16384x1024xf32, #tpu.memory_space<hbm>> -> memref<56x1024xf32, #tpu.memory_space<hbm>>
    %dma_start3A_69 = arith.constant 0 : i32
    %dma_start3A_70 = arith.constant 0 : i32
    %dma_start3A_71 = tpu.memref_slice %arg6[%arg1, %dma_start3A_66, %dma_start3A_69, %dma_start3A_70] : memref<16x2x56x1024xf32, #tpu.memory_space<vmem_shared>> -> memref<1x1x56x1024xf32, #tpu.memory_space<vmem_shared>>
    %dma_start3A_72 = tpu.memref_squeeze %dma_start3A_71 : memref<1x1x56x1024xf32, #tpu.memory_space<vmem_shared>> -> memref<56x1024xf32, #tpu.memory_space<vmem_shared>>
    tpu.enqueue_dma source(%dma_start3A_72 : memref<56x1024xf32, #tpu.memory_space<vmem_shared>>) target(%dma_start3A_68 : memref<56x1024xf32, #tpu.memory_space<hbm>>) target_semaphore(%arg9 : memref<!tpu.dma_semaphore, #tpu.memory_space<semaphore_mem>>)
    %add3A_73 = arith.constant 56 : i32
    %add3A_74 = arith.addi %mul3A_2, %add3A_73 : i32
    %dma_wait3A_75 = arith.constant 1 : i32
    %dma_wait3A_76 = arith.constant 0 : i32
    %dma_wait3A_77 = tpu.memref_slice %arg5[%add3A_74, %dma_wait3A_76] : memref<16384x1024xf32, #tpu.memory_space<hbm>> -> memref<56x1024xf32, #tpu.memory_space<hbm>>
    %dma_wait3A_78 = arith.constant 0 : i32
    %dma_wait3A_79 = arith.constant 0 : i32
    %dma_wait3A_80 = tpu.memref_slice %arg6[%arg1, %dma_wait3A_75, %dma_wait3A_78, %dma_wait3A_79] : memref<16x2x56x1024xf32, #tpu.memory_space<vmem_shared>> -> memref<1x1x56x1024xf32, #tpu.memory_space<vmem_shared>>
    %dma_wait3A_81 = tpu.memref_squeeze %dma_wait3A_80 : memref<1x1x56x1024xf32, #tpu.memory_space<vmem_shared>> -> memref<56x1024xf32, #tpu.memory_space<vmem_shared>>
    tpu.wait_dma2 semaphore(%arg9 : memref<!tpu.dma_semaphore, #tpu.memory_space<semaphore_mem>>) src(%dma_wait3A_81 : memref<56x1024xf32, #tpu.memory_space<vmem_shared>>) dst(%dma_wait3A_77 : memref<56x1024xf32, #tpu.memory_space<hbm>>)
    %add3A_82 = arith.constant 168 : i32
    %add3A_83 = arith.addi %mul3A_2, %add3A_82 : i32
    %dma_start3A_84 = arith.constant 1 : i32
    %dma_start3A_85 = arith.constant 0 : i32
    %dma_start3A_86 = arith.constant 0 : i32
    %dma_start3A_87 = tpu.memref_slice %arg6[%arg1, %dma_start3A_84, %dma_start3A_85, %dma_start3A_86] : memref<16x2x56x1024xf32, #tpu.memory_space<vmem_shared>> -> memref<1x1x56x1024xf32, #tpu.memory_space<vmem_shared>>
    %dma_start3A_88 = tpu.memref_squeeze %dma_start3A_87 : memref<1x1x56x1024xf32, #tpu.memory_space<vmem_shared>> -> memref<56x1024xf32, #tpu.memory_space<vmem_shared>>
    %dma_start3A_89 = arith.constant 0 : i32
    %dma_start3A_90 = tpu.memref_slice %arg2[%add3A_83, %dma_start3A_89] : memref<16384x1024xf32, #tpu.memory_space<hbm>> -> memref<56x1024xf32, #tpu.memory_space<hbm>>
    tpu.enqueue_dma source(%dma_start3A_90 : memref<56x1024xf32, #tpu.memory_space<hbm>>) target(%dma_start3A_88 : memref<56x1024xf32, #tpu.memory_space<vmem_shared>>) target_semaphore(%arg8 : memref<!tpu.dma_semaphore, #tpu.memory_space<semaphore_mem>>)
    %add3A_91 = arith.constant 112 : i32
    %add3A_92 = arith.addi %mul3A_2, %add3A_91 : i32
    %dma_wait3A_93 = arith.constant 0 : i32
    %dma_wait3A_94 = arith.constant 0 : i32
    %dma_wait3A_95 = arith.constant 0 : i32
    %dma_wait3A_96 = tpu.memref_slice %arg6[%arg1, %dma_wait3A_93, %dma_wait3A_94, %dma_wait3A_95] : memref<16x2x56x1024xf32, #tpu.memory_space<vmem_shared>> -> memref<1x1x56x1024xf32, #tpu.memory_space<vmem_shared>>
    %dma_wait3A_97 = tpu.memref_squeeze %dma_wait3A_96 : memref<1x1x56x1024xf32, #tpu.memory_space<vmem_shared>> -> memref<56x1024xf32, #tpu.memory_space<vmem_shared>>
    %dma_wait3A_98 = arith.constant 0 : i32
    %dma_wait3A_99 = tpu.memref_slice %arg2[%add3A_92, %dma_wait3A_98] : memref<16384x1024xf32, #tpu.memory_space<hbm>> -> memref<56x1024xf32, #tpu.memory_space<hbm>>
    tpu.wait_dma2 semaphore(%arg8 : memref<!tpu.dma_semaphore, #tpu.memory_space<semaphore_mem>>) src(%dma_wait3A_99 : memref<56x1024xf32, #tpu.memory_space<hbm>>) dst(%dma_wait3A_97 : memref<56x1024xf32, #tpu.memory_space<vmem_shared>>)
    %add3A_100 = arith.constant 112 : i32
    %add3A_101 = arith.addi %mul3A_2, %add3A_100 : i32
    %dma_start3A_102 = arith.constant 0 : i32
    %dma_start3A_103 = arith.constant 0 : i32
    %dma_start3A_104 = tpu.memref_slice %arg5[%add3A_101, %dma_start3A_103] : memref<16384x1024xf32, #tpu.memory_space<hbm>> -> memref<56x1024xf32, #tpu.memory_space<hbm>>
    %dma_start3A_105 = arith.constant 0 : i32
    %dma_start3A_106 = arith.constant 0 : i32
    %dma_start3A_107 = tpu.memref_slice %arg6[%arg1, %dma_start3A_102, %dma_start3A_105, %dma_start3A_106] : memref<16x2x56x1024xf32, #tpu.memory_space<vmem_shared>> -> memref<1x1x56x1024xf32, #tpu.memory_space<vmem_shared>>
    %dma_start3A_108 = tpu.memref_squeeze %dma_start3A_107 : memref<1x1x56x1024xf32, #tpu.memory_space<vmem_shared>> -> memref<56x1024xf32, #tpu.memory_space<vmem_shared>>
    tpu.enqueue_dma source(%dma_start3A_108 : memref<56x1024xf32, #tpu.memory_space<vmem_shared>>) target(%dma_start3A_104 : memref<56x1024xf32, #tpu.memory_space<hbm>>) target_semaphore(%arg9 : memref<!tpu.dma_semaphore, #tpu.memory_space<semaphore_mem>>)
    %add3A_109 = arith.constant 112 : i32
    %add3A_110 = arith.addi %mul3A_2, %add3A_109 : i32
    %dma_wait3A_111 = arith.constant 0 : i32
    %dma_wait3A_112 = arith.constant 0 : i32
    %dma_wait3A_113 = tpu.memref_slice %arg5[%add3A_110, %dma_wait3A_112] : memref<16384x1024xf32, #tpu.memory_space<hbm>> -> memref<56x1024xf32, #tpu.memory_space<hbm>>
    %dma_wait3A_114 = arith.constant 0 : i32
    %dma_wait3A_115 = arith.constant 0 : i32
    %dma_wait3A_116 = tpu.memref_slice %arg6[%arg1, %dma_wait3A_111, %dma_wait3A_114, %dma_wait3A_115] : memref<16x2x56x1024xf32, #tpu.memory_space<vmem_shared>> -> memref<1x1x56x1024xf32, #tpu.memory_space<vmem_shared>>
    %dma_wait3A_117 = tpu.memref_squeeze %dma_wait3A_116 : memref<1x1x56x1024xf32, #tpu.memory_space<vmem_shared>> -> memref<56x1024xf32, #tpu.memory_space<vmem_shared>>
    tpu.wait_dma2 semaphore(%arg9 : memref<!tpu.dma_semaphore, #tpu.memory_space<semaphore_mem>>) src(%dma_wait3A_117 : memref<56x1024xf32, #tpu.memory_space<vmem_shared>>) dst(%dma_wait3A_113 : memref<56x1024xf32, #tpu.memory_space<hbm>>)
    %add3A_118 = arith.constant 224 : i32
    %add3A_119 = arith.addi %mul3A_2, %add3A_118 : i32
    %dma_start3A_120 = arith.constant 0 : i32
    %dma_start3A_121 = arith.constant 0 : i32
    %dma_start3A_122 = arith.constant 0 : i32
    %dma_start3A_123 = tpu.memref_slice %arg6[%arg1, %dma_start3A_120, %dma_start3A_121, %dma_start3A_122] : memref<16x2x56x1024xf32, #tpu.memory_space<vmem_shared>> -> memref<1x1x56x1024xf32, #tpu.memory_space<vmem_shared>>
    %dma_start3A_124 = tpu.memref_squeeze %dma_start3A_123 : memref<1x1x56x1024xf32, #tpu.memory_space<vmem_shared>> -> memref<56x1024xf32, #tpu.memory_space<vmem_shared>>
    %dma_start3A_125 = arith.constant 0 : i32
    %dma_start3A_126 = tpu.memref_slice %arg2[%add3A_119, %dma_start3A_125] : memref<16384x1024xf32, #tpu.memory_space<hbm>> -> memref<56x1024xf32, #tpu.memory_space<hbm>>
    tpu.enqueue_dma source(%dma_start3A_126 : memref<56x1024xf32, #tpu.memory_space<hbm>>) target(%dma_start3A_124 : memref<56x1024xf32, #tpu.memory_space<vmem_shared>>) target_semaphore(%arg8 : memref<!tpu.dma_semaphore, #tpu.memory_space<semaphore_mem>>)
    %add3A_127 = arith.constant 168 : i32
    %add3A_128 = arith.addi %mul3A_2, %add3A_127 : i32
    %dma_wait3A_129 = arith.constant 1 : i32
    %dma_wait3A_130 = arith.constant 0 : i32
    %dma_wait3A_131 = arith.constant 0 : i32
    %dma_wait3A_132 = tpu.memref_slice %arg6[%arg1, %dma_wait3A_129, %dma_wait3A_130, %dma_wait3A_131] : memref<16x2x56x1024xf32, #tpu.memory_space<vmem_shared>> -> memref<1x1x56x1024xf32, #tpu.memory_space<vmem_shared>>
    %dma_wait3A_133 = tpu.memref_squeeze %dma_wait3A_132 : memref<1x1x56x1024xf32, #tpu.memory_space<vmem_shared>> -> memref<56x1024xf32, #tpu.memory_space<vmem_shared>>
    %dma_wait3A_134 = arith.constant 0 : i32
    %dma_wait3A_135 = tpu.memref_slice %arg2[%add3A_128, %dma_wait3A_134] : memref<16384x1024xf32, #tpu.memory_space<hbm>> -> memref<56x1024xf32, #tpu.memory_space<hbm>>
    tpu.wait_dma2 semaphore(%arg8 : memref<!tpu.dma_semaphore, #tpu.memory_space<semaphore_mem>>) src(%dma_wait3A_135 : memref<56x1024xf32, #tpu.memory_space<hbm>>) dst(%dma_wait3A_133 : memref<56x1024xf32, #tpu.memory_space<vmem_shared>>)
    %add3A_136 = arith.constant 168 : i32
    %add3A_137 = arith.addi %mul3A_2, %add3A_136 : i32
    %dma_start3A_138 = arith.constant 1 : i32
    %dma_start3A_139 = arith.constant 0 : i32
    %dma_start3A_140 = tpu.memref_slice %arg5[%add3A_137, %dma_start3A_139] : memref<16384x1024xf32, #tpu.memory_space<hbm>> -> memref<56x1024xf32, #tpu.memory_space<hbm>>
    %dma_start3A_141 = arith.constant 0 : i32
    %dma_start3A_142 = arith.constant 0 : i32
    %dma_start3A_143 = tpu.memref_slice %arg6[%arg1, %dma_start3A_138, %dma_start3A_141, %dma_start3A_142] : memref<16x2x56x1024xf32, #tpu.memory_space<vmem_shared>> -> memref<1x1x56x1024xf32, #tpu.memory_space<vmem_shared>>
    %dma_start3A_144 = tpu.memref_squeeze %dma_start3A_143 : memref<1x1x56x1024xf32, #tpu.memory_space<vmem_shared>> -> memref<56x1024xf32, #tpu.memory_space<vmem_shared>>
    tpu.enqueue_dma source(%dma_start3A_144 : memref<56x1024xf32, #tpu.memory_space<vmem_shared>>) target(%dma_start3A_140 : memref<56x1024xf32, #tpu.memory_space<hbm>>) target_semaphore(%arg9 : memref<!tpu.dma_semaphore, #tpu.memory_space<semaphore_mem>>)
    %add3A_145 = arith.constant 168 : i32
    %add3A_146 = arith.addi %mul3A_2, %add3A_145 : i32
    %dma_wait3A_147 = arith.constant 1 : i32
    %dma_wait3A_148 = arith.constant 0 : i32
    %dma_wait3A_149 = tpu.memref_slice %arg5[%add3A_146, %dma_wait3A_148] : memref<16384x1024xf32, #tpu.memory_space<hbm>> -> memref<56x1024xf32, #tpu.memory_space<hbm>>
    %dma_wait3A_150 = arith.constant 0 : i32
    %dma_wait3A_151 = arith.constant 0 : i32
    %dma_wait3A_152 = tpu.memref_slice %arg6[%arg1, %dma_wait3A_147, %dma_wait3A_150, %dma_wait3A_151] : memref<16x2x56x1024xf32, #tpu.memory_space<vmem_shared>> -> memref<1x1x56x1024xf32, #tpu.memory_space<vmem_shared>>
    %dma_wait3A_153 = tpu.memref_squeeze %dma_wait3A_152 : memref<1x1x56x1024xf32, #tpu.memory_space<vmem_shared>> -> memref<56x1024xf32, #tpu.memory_space<vmem_shared>>
    tpu.wait_dma2 semaphore(%arg9 : memref<!tpu.dma_semaphore, #tpu.memory_space<semaphore_mem>>) src(%dma_wait3A_153 : memref<56x1024xf32, #tpu.memory_space<vmem_shared>>) dst(%dma_wait3A_149 : memref<56x1024xf32, #tpu.memory_space<hbm>>)
    %add3A_154 = arith.constant 280 : i32
    %add3A_155 = arith.addi %mul3A_2, %add3A_154 : i32
    %dma_start3A_156 = arith.constant 1 : i32
    %dma_start3A_157 = arith.constant 0 : i32
    %dma_start3A_158 = arith.constant 0 : i32
    %dma_start3A_159 = tpu.memref_slice %arg6[%arg1, %dma_start3A_156, %dma_start3A_157, %dma_start3A_158] : memref<16x2x56x1024xf32, #tpu.memory_space<vmem_shared>> -> memref<1x1x56x1024xf32, #tpu.memory_space<vmem_shared>>
    %dma_start3A_160 = tpu.memref_squeeze %dma_start3A_159 : memref<1x1x56x1024xf32, #tpu.memory_space<vmem_shared>> -> memref<56x1024xf32, #tpu.memory_space<vmem_shared>>
    %dma_start3A_161 = arith.constant 0 : i32
    %dma_start3A_162 = tpu.memref_slice %arg2[%add3A_155, %dma_start3A_161] : memref<16384x1024xf32, #tpu.memory_space<hbm>> -> memref<56x1024xf32, #tpu.memory_space<hbm>>
    tpu.enqueue_dma source(%dma_start3A_162 : memref<56x1024xf32, #tpu.memory_space<hbm>>) target(%dma_start3A_160 : memref<56x1024xf32, #tpu.memory_space<vmem_shared>>) target_semaphore(%arg8 : memref<!tpu.dma_semaphore, #tpu.memory_space<semaphore_mem>>)
    %add3A_163 = arith.constant 224 : i32
    %add3A_164 = arith.addi %mul3A_2, %add3A_163 : i32
    %dma_wait3A_165 = arith.constant 0 : i32
    %dma_wait3A_166 = arith.constant 0 : i32
    %dma_wait3A_167 = arith.constant 0 : i32
    %dma_wait3A_168 = tpu.memref_slice %arg6[%arg1, %dma_wait3A_165, %dma_wait3A_166, %dma_wait3A_167] : memref<16x2x56x1024xf32, #tpu.memory_space<vmem_shared>> -> memref<1x1x56x1024xf32, #tpu.memory_space<vmem_shared>>
    %dma_wait3A_169 = tpu.memref_squeeze %dma_wait3A_168 : memref<1x1x56x1024xf32, #tpu.memory_space<vmem_shared>> -> memref<56x1024xf32, #tpu.memory_space<vmem_shared>>
    %dma_wait3A_170 = arith.constant 0 : i32
    %dma_wait3A_171 = tpu.memref_slice %arg2[%add3A_164, %dma_wait3A_170] : memref<16384x1024xf32, #tpu.memory_space<hbm>> -> memref<56x1024xf32, #tpu.memory_space<hbm>>
    tpu.wait_dma2 semaphore(%arg8 : memref<!tpu.dma_semaphore, #tpu.memory_space<semaphore_mem>>) src(%dma_wait3A_171 : memref<56x1024xf32, #tpu.memory_space<hbm>>) dst(%dma_wait3A_169 : memref<56x1024xf32, #tpu.memory_space<vmem_shared>>)
    %add3A_172 = arith.constant 224 : i32
    %add3A_173 = arith.addi %mul3A_2, %add3A_172 : i32
    %dma_start3A_174 = arith.constant 0 : i32
    %dma_start3A_175 = arith.constant 0 : i32
    %dma_start3A_176 = tpu.memref_slice %arg5[%add3A_173, %dma_start3A_175] : memref<16384x1024xf32, #tpu.memory_space<hbm>> -> memref<56x1024xf32, #tpu.memory_space<hbm>>
    %dma_start3A_177 = arith.constant 0 : i32
    %dma_start3A_178 = arith.constant 0 : i32
    %dma_start3A_179 = tpu.memref_slice %arg6[%arg1, %dma_start3A_174, %dma_start3A_177, %dma_start3A_178] : memref<16x2x56x1024xf32, #tpu.memory_space<vmem_shared>> -> memref<1x1x56x1024xf32, #tpu.memory_space<vmem_shared>>
    %dma_start3A_180 = tpu.memref_squeeze %dma_start3A_179 : memref<1x1x56x1024xf32, #tpu.memory_space<vmem_shared>> -> memref<56x1024xf32, #tpu.memory_space<vmem_shared>>
    tpu.enqueue_dma source(%dma_start3A_180 : memref<56x1024xf32, #tpu.memory_space<vmem_shared>>) target(%dma_start3A_176 : memref<56x1024xf32, #tpu.memory_space<hbm>>) target_semaphore(%arg9 : memref<!tpu.dma_semaphore, #tpu.memory_space<semaphore_mem>>)
    %add3A_181 = arith.constant 224 : i32
    %add3A_182 = arith.addi %mul3A_2, %add3A_181 : i32
    %dma_wait3A_183 = arith.constant 0 : i32
    %dma_wait3A_184 = arith.constant 0 : i32
    %dma_wait3A_185 = tpu.memref_slice %arg5[%add3A_182, %dma_wait3A_184] : memref<16384x1024xf32, #tpu.memory_space<hbm>> -> memref<56x1024xf32, #tpu.memory_space<hbm>>
    %dma_wait3A_186 = arith.constant 0 : i32
    %dma_wait3A_187 = arith.constant 0 : i32
    %dma_wait3A_188 = tpu.memref_slice %arg6[%arg1, %dma_wait3A_183, %dma_wait3A_186, %dma_wait3A_187] : memref<16x2x56x1024xf32, #tpu.memory_space<vmem_shared>> -> memref<1x1x56x1024xf32, #tpu.memory_space<vmem_shared>>
    %dma_wait3A_189 = tpu.memref_squeeze %dma_wait3A_188 : memref<1x1x56x1024xf32, #tpu.memory_space<vmem_shared>> -> memref<56x1024xf32, #tpu.memory_space<vmem_shared>>
    tpu.wait_dma2 semaphore(%arg9 : memref<!tpu.dma_semaphore, #tpu.memory_space<semaphore_mem>>) src(%dma_wait3A_189 : memref<56x1024xf32, #tpu.memory_space<vmem_shared>>) dst(%dma_wait3A_185 : memref<56x1024xf32, #tpu.memory_space<hbm>>)
    %add3A_190 = arith.constant 336 : i32
    %add3A_191 = arith.addi %mul3A_2, %add3A_190 : i32
    %dma_start3A_192 = arith.constant 0 : i32
    %dma_start3A_193 = arith.constant 0 : i32
    %dma_start3A_194 = arith.constant 0 : i32
    %dma_start3A_195 = tpu.memref_slice %arg6[%arg1, %dma_start3A_192, %dma_start3A_193, %dma_start3A_194] : memref<16x2x56x1024xf32, #tpu.memory_space<vmem_shared>> -> memref<1x1x56x1024xf32, #tpu.memory_space<vmem_shared>>
    %dma_start3A_196 = tpu.memref_squeeze %dma_start3A_195 : memref<1x1x56x1024xf32, #tpu.memory_space<vmem_shared>> -> memref<56x1024xf32, #tpu.memory_space<vmem_shared>>
    %dma_start3A_197 = arith.constant 0 : i32
    %dma_start3A_198 = tpu.memref_slice %arg2[%add3A_191, %dma_start3A_197] : memref<16384x1024xf32, #tpu.memory_space<hbm>> -> memref<56x1024xf32, #tpu.memory_space<hbm>>
    tpu.enqueue_dma source(%dma_start3A_198 : memref<56x1024xf32, #tpu.memory_space<hbm>>) target(%dma_start3A_196 : memref<56x1024xf32, #tpu.memory_space<vmem_shared>>) target_semaphore(%arg8 : memref<!tpu.dma_semaphore, #tpu.memory_space<semaphore_mem>>)
    %add3A_199 = arith.constant 280 : i32
    %add3A_200 = arith.addi %mul3A_2, %add3A_199 : i32
    %dma_wait3A_201 = arith.constant 1 : i32
    %dma_wait3A_202 = arith.constant 0 : i32
    %dma_wait3A_203 = arith.constant 0 : i32
    %dma_wait3A_204 = tpu.memref_slice %arg6[%arg1, %dma_wait3A_201, %dma_wait3A_202, %dma_wait3A_203] : memref<16x2x56x1024xf32, #tpu.memory_space<vmem_shared>> -> memref<1x1x56x1024xf32, #tpu.memory_space<vmem_shared>>
    %dma_wait3A_205 = tpu.memref_squeeze %dma_wait3A_204 : memref<1x1x56x1024xf32, #tpu.memory_space<vmem_shared>> -> memref<56x1024xf32, #tpu.memory_space<vmem_shared>>
    %dma_wait3A_206 = arith.constant 0 : i32
    %dma_wait3A_207 = tpu.memref_slice %arg2[%add3A_200, %dma_wait3A_206] : memref<16384x1024xf32, #tpu.memory_space<hbm>> -> memref<56x1024xf32, #tpu.memory_space<hbm>>
    tpu.wait_dma2 semaphore(%arg8 : memref<!tpu.dma_semaphore, #tpu.memory_space<semaphore_mem>>) src(%dma_wait3A_207 : memref<56x1024xf32, #tpu.memory_space<hbm>>) dst(%dma_wait3A_205 : memref<56x1024xf32, #tpu.memory_space<vmem_shared>>)
    %add3A_208 = arith.constant 280 : i32
    %add3A_209 = arith.addi %mul3A_2, %add3A_208 : i32
    %dma_start3A_210 = arith.constant 1 : i32
    %dma_start3A_211 = arith.constant 0 : i32
    %dma_start3A_212 = tpu.memref_slice %arg5[%add3A_209, %dma_start3A_211] : memref<16384x1024xf32, #tpu.memory_space<hbm>> -> memref<56x1024xf32, #tpu.memory_space<hbm>>
    %dma_start3A_213 = arith.constant 0 : i32
    %dma_start3A_214 = arith.constant 0 : i32
    %dma_start3A_215 = tpu.memref_slice %arg6[%arg1, %dma_start3A_210, %dma_start3A_213, %dma_start3A_214] : memref<16x2x56x1024xf32, #tpu.memory_space<vmem_shared>> -> memref<1x1x56x1024xf32, #tpu.memory_space<vmem_shared>>
    %dma_start3A_216 = tpu.memref_squeeze %dma_start3A_215 : memref<1x1x56x1024xf32, #tpu.memory_space<vmem_shared>> -> memref<56x1024xf32, #tpu.memory_space<vmem_shared>>
    tpu.enqueue_dma source(%dma_start3A_216 : memref<56x1024xf32, #tpu.memory_space<vmem_shared>>) target(%dma_start3A_212 : memref<56x1024xf32, #tpu.memory_space<hbm>>) target_semaphore(%arg9 : memref<!tpu.dma_semaphore, #tpu.memory_space<semaphore_mem>>)
    %add3A_217 = arith.constant 280 : i32
    %add3A_218 = arith.addi %mul3A_2, %add3A_217 : i32
    %dma_wait3A_219 = arith.constant 1 : i32
    %dma_wait3A_220 = arith.constant 0 : i32
    %dma_wait3A_221 = tpu.memref_slice %arg5[%add3A_218, %dma_wait3A_220] : memref<16384x1024xf32, #tpu.memory_space<hbm>> -> memref<56x1024xf32, #tpu.memory_space<hbm>>
    %dma_wait3A_222 = arith.constant 0 : i32
    %dma_wait3A_223 = arith.constant 0 : i32
    %dma_wait3A_224 = tpu.memref_slice %arg6[%arg1, %dma_wait3A_219, %dma_wait3A_222, %dma_wait3A_223] : memref<16x2x56x1024xf32, #tpu.memory_space<vmem_shared>> -> memref<1x1x56x1024xf32, #tpu.memory_space<vmem_shared>>
    %dma_wait3A_225 = tpu.memref_squeeze %dma_wait3A_224 : memref<1x1x56x1024xf32, #tpu.memory_space<vmem_shared>> -> memref<56x1024xf32, #tpu.memory_space<vmem_shared>>
    tpu.wait_dma2 semaphore(%arg9 : memref<!tpu.dma_semaphore, #tpu.memory_space<semaphore_mem>>) src(%dma_wait3A_225 : memref<56x1024xf32, #tpu.memory_space<vmem_shared>>) dst(%dma_wait3A_221 : memref<56x1024xf32, #tpu.memory_space<hbm>>)
    %add3A_226 = arith.constant 392 : i32
    %add3A_227 = arith.addi %mul3A_2, %add3A_226 : i32
    %dma_start3A_228 = arith.constant 1 : i32
    %dma_start3A_229 = arith.constant 0 : i32
    %dma_start3A_230 = arith.constant 0 : i32
    %dma_start3A_231 = tpu.memref_slice %arg6[%arg1, %dma_start3A_228, %dma_start3A_229, %dma_start3A_230] : memref<16x2x56x1024xf32, #tpu.memory_space<vmem_shared>> -> memref<1x1x56x1024xf32, #tpu.memory_space<vmem_shared>>
    %dma_start3A_232 = tpu.memref_squeeze %dma_start3A_231 : memref<1x1x56x1024xf32, #tpu.memory_space<vmem_shared>> -> memref<56x1024xf32, #tpu.memory_space<vmem_shared>>
    %dma_start3A_233 = arith.constant 0 : i32
    %dma_start3A_234 = tpu.memref_slice %arg2[%add3A_227, %dma_start3A_233] : memref<16384x1024xf32, #tpu.memory_space<hbm>> -> memref<56x1024xf32, #tpu.memory_space<hbm>>
    tpu.enqueue_dma source(%dma_start3A_234 : memref<56x1024xf32, #tpu.memory_space<hbm>>) target(%dma_start3A_232 : memref<56x1024xf32, #tpu.memory_space<vmem_shared>>) target_semaphore(%arg8 : memref<!tpu.dma_semaphore, #tpu.memory_space<semaphore_mem>>)
    %add3A_235 = arith.constant 336 : i32
    %add3A_236 = arith.addi %mul3A_2, %add3A_235 : i32
    %dma_wait3A_237 = arith.constant 0 : i32
    %dma_wait3A_238 = arith.constant 0 : i32
    %dma_wait3A_239 = arith.constant 0 : i32
    %dma_wait3A_240 = tpu.memref_slice %arg6[%arg1, %dma_wait3A_237, %dma_wait3A_238, %dma_wait3A_239] : memref<16x2x56x1024xf32, #tpu.memory_space<vmem_shared>> -> memref<1x1x56x1024xf32, #tpu.memory_space<vmem_shared>>
    %dma_wait3A_241 = tpu.memref_squeeze %dma_wait3A_240 : memref<1x1x56x1024xf32, #tpu.memory_space<vmem_shared>> -> memref<56x1024xf32, #tpu.memory_space<vmem_shared>>
    %dma_wait3A_242 = arith.constant 0 : i32
    %dma_wait3A_243 = tpu.memref_slice %arg2[%add3A_236, %dma_wait3A_242] : memref<16384x1024xf32, #tpu.memory_space<hbm>> -> memref<56x1024xf32, #tpu.memory_space<hbm>>
    tpu.wait_dma2 semaphore(%arg8 : memref<!tpu.dma_semaphore, #tpu.memory_space<semaphore_mem>>) src(%dma_wait3A_243 : memref<56x1024xf32, #tpu.memory_space<hbm>>) dst(%dma_wait3A_241 : memref<56x1024xf32, #tpu.memory_space<vmem_shared>>)
    %add3A_244 = arith.constant 336 : i32
    %add3A_245 = arith.addi %mul3A_2, %add3A_244 : i32
    %dma_start3A_246 = arith.constant 0 : i32
    %dma_start3A_247 = arith.constant 0 : i32
    %dma_start3A_248 = tpu.memref_slice %arg5[%add3A_245, %dma_start3A_247] : memref<16384x1024xf32, #tpu.memory_space<hbm>> -> memref<56x1024xf32, #tpu.memory_space<hbm>>
    %dma_start3A_249 = arith.constant 0 : i32
    %dma_start3A_250 = arith.constant 0 : i32
    %dma_start3A_251 = tpu.memref_slice %arg6[%arg1, %dma_start3A_246, %dma_start3A_249, %dma_start3A_250] : memref<16x2x56x1024xf32, #tpu.memory_space<vmem_shared>> -> memref<1x1x56x1024xf32, #tpu.memory_space<vmem_shared>>
    %dma_start3A_252 = tpu.memref_squeeze %dma_start3A_251 : memref<1x1x56x1024xf32, #tpu.memory_space<vmem_shared>> -> memref<56x1024xf32, #tpu.memory_space<vmem_shared>>
    tpu.enqueue_dma source(%dma_start3A_252 : memref<56x1024xf32, #tpu.memory_space<vmem_shared>>) target(%dma_start3A_248 : memref<56x1024xf32, #tpu.memory_space<hbm>>) target_semaphore(%arg9 : memref<!tpu.dma_semaphore, #tpu.memory_space<semaphore_mem>>)
    %add3A_253 = arith.constant 336 : i32
    %add3A_254 = arith.addi %mul3A_2, %add3A_253 : i32
    %dma_wait3A_255 = arith.constant 0 : i32
    %dma_wait3A_256 = arith.constant 0 : i32
    %dma_wait3A_257 = tpu.memref_slice %arg5[%add3A_254, %dma_wait3A_256] : memref<16384x1024xf32, #tpu.memory_space<hbm>> -> memref<56x1024xf32, #tpu.memory_space<hbm>>
    %dma_wait3A_258 = arith.constant 0 : i32
    %dma_wait3A_259 = arith.constant 0 : i32
    %dma_wait3A_260 = tpu.memref_slice %arg6[%arg1, %dma_wait3A_255, %dma_wait3A_258, %dma_wait3A_259] : memref<16x2x56x1024xf32, #tpu.memory_space<vmem_shared>> -> memref<1x1x56x1024xf32, #tpu.memory_space<vmem_shared>>
    %dma_wait3A_261 = tpu.memref_squeeze %dma_wait3A_260 : memref<1x1x56x1024xf32, #tpu.memory_space<vmem_shared>> -> memref<56x1024xf32, #tpu.memory_space<vmem_shared>>
    tpu.wait_dma2 semaphore(%arg9 : memref<!tpu.dma_semaphore, #tpu.memory_space<semaphore_mem>>) src(%dma_wait3A_261 : memref<56x1024xf32, #tpu.memory_space<vmem_shared>>) dst(%dma_wait3A_257 : memref<56x1024xf32, #tpu.memory_space<hbm>>)
    %add3A_262 = arith.constant 448 : i32
    %add3A_263 = arith.addi %mul3A_2, %add3A_262 : i32
    %dma_start3A_264 = arith.constant 0 : i32
    %dma_start3A_265 = arith.constant 0 : i32
    %dma_start3A_266 = arith.constant 0 : i32
    %dma_start3A_267 = tpu.memref_slice %arg6[%arg1, %dma_start3A_264, %dma_start3A_265, %dma_start3A_266] : memref<16x2x56x1024xf32, #tpu.memory_space<vmem_shared>> -> memref<1x1x56x1024xf32, #tpu.memory_space<vmem_shared>>
    %dma_start3A_268 = tpu.memref_squeeze %dma_start3A_267 : memref<1x1x56x1024xf32, #tpu.memory_space<vmem_shared>> -> memref<56x1024xf32, #tpu.memory_space<vmem_shared>>
    %dma_start3A_269 = arith.constant 0 : i32
    %dma_start3A_270 = tpu.memref_slice %arg2[%add3A_263, %dma_start3A_269] : memref<16384x1024xf32, #tpu.memory_space<hbm>> -> memref<56x1024xf32, #tpu.memory_space<hbm>>
    tpu.enqueue_dma source(%dma_start3A_270 : memref<56x1024xf32, #tpu.memory_space<hbm>>) target(%dma_start3A_268 : memref<56x1024xf32, #tpu.memory_space<vmem_shared>>) target_semaphore(%arg8 : memref<!tpu.dma_semaphore, #tpu.memory_space<semaphore_mem>>)
    %add3A_271 = arith.constant 392 : i32
    %add3A_272 = arith.addi %mul3A_2, %add3A_271 : i32
    %dma_wait3A_273 = arith.constant 1 : i32
    %dma_wait3A_274 = arith.constant 0 : i32
    %dma_wait3A_275 = arith.constant 0 : i32
    %dma_wait3A_276 = tpu.memref_slice %arg6[%arg1, %dma_wait3A_273, %dma_wait3A_274, %dma_wait3A_275] : memref<16x2x56x1024xf32, #tpu.memory_space<vmem_shared>> -> memref<1x1x56x1024xf32, #tpu.memory_space<vmem_shared>>
    %dma_wait3A_277 = tpu.memref_squeeze %dma_wait3A_276 : memref<1x1x56x1024xf32, #tpu.memory_space<vmem_shared>> -> memref<56x1024xf32, #tpu.memory_space<vmem_shared>>
    %dma_wait3A_278 = arith.constant 0 : i32
    %dma_wait3A_279 = tpu.memref_slice %arg2[%add3A_272, %dma_wait3A_278] : memref<16384x1024xf32, #tpu.memory_space<hbm>> -> memref<56x1024xf32, #tpu.memory_space<hbm>>
    tpu.wait_dma2 semaphore(%arg8 : memref<!tpu.dma_semaphore, #tpu.memory_space<semaphore_mem>>) src(%dma_wait3A_279 : memref<56x1024xf32, #tpu.memory_space<hbm>>) dst(%dma_wait3A_277 : memref<56x1024xf32, #tpu.memory_space<vmem_shared>>)
    %add3A_280 = arith.constant 392 : i32
    %add3A_281 = arith.addi %mul3A_2, %add3A_280 : i32
    %dma_start3A_282 = arith.constant 1 : i32
    %dma_start3A_283 = arith.constant 0 : i32
    %dma_start3A_284 = tpu.memref_slice %arg5[%add3A_281, %dma_start3A_283] : memref<16384x1024xf32, #tpu.memory_space<hbm>> -> memref<56x1024xf32, #tpu.memory_space<hbm>>
    %dma_start3A_285 = arith.constant 0 : i32
    %dma_start3A_286 = arith.constant 0 : i32
    %dma_start3A_287 = tpu.memref_slice %arg6[%arg1, %dma_start3A_282, %dma_start3A_285, %dma_start3A_286] : memref<16x2x56x1024xf32, #tpu.memory_space<vmem_shared>> -> memref<1x1x56x1024xf32, #tpu.memory_space<vmem_shared>>
    %dma_start3A_288 = tpu.memref_squeeze %dma_start3A_287 : memref<1x1x56x1024xf32, #tpu.memory_space<vmem_shared>> -> memref<56x1024xf32, #tpu.memory_space<vmem_shared>>
    tpu.enqueue_dma source(%dma_start3A_288 : memref<56x1024xf32, #tpu.memory_space<vmem_shared>>) target(%dma_start3A_284 : memref<56x1024xf32, #tpu.memory_space<hbm>>) target_semaphore(%arg9 : memref<!tpu.dma_semaphore, #tpu.memory_space<semaphore_mem>>)
    %add3A_289 = arith.constant 392 : i32
    %add3A_290 = arith.addi %mul3A_2, %add3A_289 : i32
    %dma_wait3A_291 = arith.constant 1 : i32
    %dma_wait3A_292 = arith.constant 0 : i32
    %dma_wait3A_293 = tpu.memref_slice %arg5[%add3A_290, %dma_wait3A_292] : memref<16384x1024xf32, #tpu.memory_space<hbm>> -> memref<56x1024xf32, #tpu.memory_space<hbm>>
    %dma_wait3A_294 = arith.constant 0 : i32
    %dma_wait3A_295 = arith.constant 0 : i32
    %dma_wait3A_296 = tpu.memref_slice %arg6[%arg1, %dma_wait3A_291, %dma_wait3A_294, %dma_wait3A_295] : memref<16x2x56x1024xf32, #tpu.memory_space<vmem_shared>> -> memref<1x1x56x1024xf32, #tpu.memory_space<vmem_shared>>
    %dma_wait3A_297 = tpu.memref_squeeze %dma_wait3A_296 : memref<1x1x56x1024xf32, #tpu.memory_space<vmem_shared>> -> memref<56x1024xf32, #tpu.memory_space<vmem_shared>>
    tpu.wait_dma2 semaphore(%arg9 : memref<!tpu.dma_semaphore, #tpu.memory_space<semaphore_mem>>) src(%dma_wait3A_297 : memref<56x1024xf32, #tpu.memory_space<vmem_shared>>) dst(%dma_wait3A_293 : memref<56x1024xf32, #tpu.memory_space<hbm>>)
    %add3A_298 = arith.constant 504 : i32
    %add3A_299 = arith.addi %mul3A_2, %add3A_298 : i32
    %dma_start3A_300 = arith.constant 1 : i32
    %dma_start3A_301 = arith.constant 0 : i32
    %dma_start3A_302 = arith.constant 0 : i32
    %dma_start3A_303 = tpu.memref_slice %arg6[%arg1, %dma_start3A_300, %dma_start3A_301, %dma_start3A_302] : memref<16x2x56x1024xf32, #tpu.memory_space<vmem_shared>> -> memref<1x1x8x1024xf32, #tpu.memory_space<vmem_shared>>
    %dma_start3A_304 = tpu.memref_squeeze %dma_start3A_303 : memref<1x1x8x1024xf32, #tpu.memory_space<vmem_shared>> -> memref<8x1024xf32, #tpu.memory_space<vmem_shared>>
    %dma_start3A_305 = arith.constant 0 : i32
    %dma_start3A_306 = tpu.memref_slice %arg2[%add3A_299, %dma_start3A_305] : memref<16384x1024xf32, #tpu.memory_space<hbm>> -> memref<8x1024xf32, #tpu.memory_space<hbm>>
    tpu.enqueue_dma source(%dma_start3A_306 : memref<8x1024xf32, #tpu.memory_space<hbm>>) target(%dma_start3A_304 : memref<8x1024xf32, #tpu.memory_space<vmem_shared>>) target_semaphore(%arg8 : memref<!tpu.dma_semaphore, #tpu.memory_space<semaphore_mem>>)
    %add3A_307 = arith.constant 448 : i32
    %add3A_308 = arith.addi %mul3A_2, %add3A_307 : i32
    %dma_wait3A_309 = arith.constant 0 : i32
    %dma_wait3A_310 = arith.constant 0 : i32
    %dma_wait3A_311 = arith.constant 0 : i32
    %dma_wait3A_312 = tpu.memref_slice %arg6[%arg1, %dma_wait3A_309, %dma_wait3A_310, %dma_wait3A_311] : memref<16x2x56x1024xf32, #tpu.memory_space<vmem_shared>> -> memref<1x1x56x1024xf32, #tpu.memory_space<vmem_shared>>
    %dma_wait3A_313 = tpu.memref_squeeze %dma_wait3A_312 : memref<1x1x56x1024xf32, #tpu.memory_space<vmem_shared>> -> memref<56x1024xf32, #tpu.memory_space<vmem_shared>>
    %dma_wait3A_314 = arith.constant 0 : i32
    %dma_wait3A_315 = tpu.memref_slice %arg2[%add3A_308, %dma_wait3A_314] : memref<16384x1024xf32, #tpu.memory_space<hbm>> -> memref<56x1024xf32, #tpu.memory_space<hbm>>
    tpu.wait_dma2 semaphore(%arg8 : memref<!tpu.dma_semaphore, #tpu.memory_space<semaphore_mem>>) src(%dma_wait3A_315 : memref<56x1024xf32, #tpu.memory_space<hbm>>) dst(%dma_wait3A_313 : memref<56x1024xf32, #tpu.memory_space<vmem_shared>>)
    %add3A_316 = arith.constant 448 : i32
    %add3A_317 = arith.addi %mul3A_2, %add3A_316 : i32
    %dma_start3A_318 = arith.constant 0 : i32
    %dma_start3A_319 = arith.constant 0 : i32
    %dma_start3A_320 = tpu.memref_slice %arg5[%add3A_317, %dma_start3A_319] : memref<16384x1024xf32, #tpu.memory_space<hbm>> -> memref<56x1024xf32, #tpu.memory_space<hbm>>
    %dma_start3A_321 = arith.constant 0 : i32
    %dma_start3A_322 = arith.constant 0 : i32
    %dma_start3A_323 = tpu.memref_slice %arg6[%arg1, %dma_start3A_318, %dma_start3A_321, %dma_start3A_322] : memref<16x2x56x1024xf32, #tpu.memory_space<vmem_shared>> -> memref<1x1x56x1024xf32, #tpu.memory_space<vmem_shared>>
    %dma_start3A_324 = tpu.memref_squeeze %dma_start3A_323 : memref<1x1x56x1024xf32, #tpu.memory_space<vmem_shared>> -> memref<56x1024xf32, #tpu.memory_space<vmem_shared>>
    tpu.enqueue_dma source(%dma_start3A_324 : memref<56x1024xf32, #tpu.memory_space<vmem_shared>>) target(%dma_start3A_320 : memref<56x1024xf32, #tpu.memory_space<hbm>>) target_semaphore(%arg9 : memref<!tpu.dma_semaphore, #tpu.memory_space<semaphore_mem>>)
    %add3A_325 = arith.constant 504 : i32
    %add3A_326 = arith.addi %mul3A_2, %add3A_325 : i32
    %dma_wait3A_327 = arith.constant 1 : i32
    %dma_wait3A_328 = arith.constant 0 : i32
    %dma_wait3A_329 = arith.constant 0 : i32
    %dma_wait3A_330 = tpu.memref_slice %arg6[%arg1, %dma_wait3A_327, %dma_wait3A_328, %dma_wait3A_329] : memref<16x2x56x1024xf32, #tpu.memory_space<vmem_shared>> -> memref<1x1x8x1024xf32, #tpu.memory_space<vmem_shared>>
    %dma_wait3A_331 = tpu.memref_squeeze %dma_wait3A_330 : memref<1x1x8x1024xf32, #tpu.memory_space<vmem_shared>> -> memref<8x1024xf32, #tpu.memory_space<vmem_shared>>
    %dma_wait3A_332 = arith.constant 0 : i32
    %dma_wait3A_333 = tpu.memref_slice %arg2[%add3A_326, %dma_wait3A_332] : memref<16384x1024xf32, #tpu.memory_space<hbm>> -> memref<8x1024xf32, #tpu.memory_space<hbm>>
    tpu.wait_dma2 semaphore(%arg8 : memref<!tpu.dma_semaphore, #tpu.memory_space<semaphore_mem>>) src(%dma_wait3A_333 : memref<8x1024xf32, #tpu.memory_space<hbm>>) dst(%dma_wait3A_331 : memref<8x1024xf32, #tpu.memory_space<vmem_shared>>)
    %add3A_334 = arith.constant 504 : i32
    %add3A_335 = arith.addi %mul3A_2, %add3A_334 : i32
    %dma_start3A_336 = arith.constant 1 : i32
    %dma_start3A_337 = arith.constant 0 : i32
    %dma_start3A_338 = tpu.memref_slice %arg5[%add3A_335, %dma_start3A_337] : memref<16384x1024xf32, #tpu.memory_space<hbm>> -> memref<8x1024xf32, #tpu.memory_space<hbm>>
    %dma_start3A_339 = arith.constant 0 : i32
    %dma_start3A_340 = arith.constant 0 : i32
    %dma_start3A_341 = tpu.memref_slice %arg6[%arg1, %dma_start3A_336, %dma_start3A_339, %dma_start3A_340] : memref<16x2x56x1024xf32, #tpu.memory_space<vmem_shared>> -> memref<1x1x8x1024xf32, #tpu.memory_space<vmem_shared>>
    %dma_start3A_342 = tpu.memref_squeeze %dma_start3A_341 : memref<1x1x8x1024xf32, #tpu.memory_space<vmem_shared>> -> memref<8x1024xf32, #tpu.memory_space<vmem_shared>>
    tpu.enqueue_dma source(%dma_start3A_342 : memref<8x1024xf32, #tpu.memory_space<vmem_shared>>) target(%dma_start3A_338 : memref<8x1024xf32, #tpu.memory_space<hbm>>) target_semaphore(%arg9 : memref<!tpu.dma_semaphore, #tpu.memory_space<semaphore_mem>>)
    %add3A_343 = arith.constant 448 : i32
    %add3A_344 = arith.addi %mul3A_2, %add3A_343 : i32
    %dma_wait3A_345 = arith.constant 0 : i32
    %dma_wait3A_346 = arith.constant 0 : i32
    %dma_wait3A_347 = tpu.memref_slice %arg5[%add3A_344, %dma_wait3A_346] : memref<16384x1024xf32, #tpu.memory_space<hbm>> -> memref<56x1024xf32, #tpu.memory_space<hbm>>
    %dma_wait3A_348 = arith.constant 0 : i32
    %dma_wait3A_349 = arith.constant 0 : i32
    %dma_wait3A_350 = tpu.memref_slice %arg6[%arg1, %dma_wait3A_345, %dma_wait3A_348, %dma_wait3A_349] : memref<16x2x56x1024xf32, #tpu.memory_space<vmem_shared>> -> memref<1x1x56x1024xf32, #tpu.memory_space<vmem_shared>>
    %dma_wait3A_351 = tpu.memref_squeeze %dma_wait3A_350 : memref<1x1x56x1024xf32, #tpu.memory_space<vmem_shared>> -> memref<56x1024xf32, #tpu.memory_space<vmem_shared>>
    tpu.wait_dma2 semaphore(%arg9 : memref<!tpu.dma_semaphore, #tpu.memory_space<semaphore_mem>>) src(%dma_wait3A_351 : memref<56x1024xf32, #tpu.memory_space<vmem_shared>>) dst(%dma_wait3A_347 : memref<56x1024xf32, #tpu.memory_space<hbm>>)
    %add3A_352 = arith.constant 504 : i32
    %add3A_353 = arith.addi %mul3A_2, %add3A_352 : i32
    %dma_wait3A_354 = arith.constant 1 : i32
    %dma_wait3A_355 = arith.constant 0 : i32
    %dma_wait3A_356 = tpu.memref_slice %arg5[%add3A_353, %dma_wait3A_355] : memref<16384x1024xf32, #tpu.memory_space<hbm>> -> memref<8x1024xf32, #tpu.memory_space<hbm>>
    %dma_wait3A_357 = arith.constant 0 : i32
    %dma_wait3A_358 = arith.constant 0 : i32
    %dma_wait3A_359 = tpu.memref_slice %arg6[%arg1, %dma_wait3A_354, %dma_wait3A_357, %dma_wait3A_358] : memref<16x2x56x1024xf32, #tpu.memory_space<vmem_shared>> -> memref<1x1x8x1024xf32, #tpu.memory_space<vmem_shared>>
    %dma_wait3A_360 = tpu.memref_squeeze %dma_wait3A_359 : memref<1x1x8x1024xf32, #tpu.memory_space<vmem_shared>> -> memref<8x1024xf32, #tpu.memory_space<vmem_shared>>
    tpu.wait_dma2 semaphore(%arg9 : memref<!tpu.dma_semaphore, #tpu.memory_space<semaphore_mem>>) src(%dma_wait3A_360 : memref<8x1024xf32, #tpu.memory_space<vmem_shared>>) dst(%dma_wait3A_356 : memref<8x1024xf32, #tpu.memory_space<hbm>>)
    %run_scoped3A = arith.constant 0 : i32
    "tpu.region"() ({
      %run_scoped3A_544 = tpu.sem_alloc : memref<!tpu.dma_semaphore, #tpu.memory_space<semaphore_mem>>
      %dma_start3A_545 = arith.constant 0 : i32
      %dma_start3A_546 = arith.constant 0 : i32
      %dma_start3A_547 = tpu.memref_slice %arg6[%arg1, %run_scoped3A, %dma_start3A_545, %dma_start3A_546] : memref<16x2x56x1024xf32, #tpu.memory_space<vmem_shared>> -> memref<1x1x8x1024xf32, #tpu.memory_space<vmem_shared>>
      %dma_start3A_548 = tpu.memref_squeeze %dma_start3A_547 : memref<1x1x8x1024xf32, #tpu.memory_space<vmem_shared>> -> memref<8x1024xf32, #tpu.memory_space<vmem_shared>>
      tpu.enqueue_dma source(%arg3 : memref<8x1024xf32, #tpu.memory_space<hbm>>) target(%dma_start3A_548 : memref<8x1024xf32, #tpu.memory_space<vmem_shared>>) target_semaphore(%run_scoped3A_544 : memref<!tpu.dma_semaphore, #tpu.memory_space<semaphore_mem>>)
      %dma_wait3A_549 = arith.constant 0 : i32
      %dma_wait3A_550 = arith.constant 0 : i32
      %dma_wait3A_551 = tpu.memref_slice %arg6[%arg1, %run_scoped3A, %dma_wait3A_549, %dma_wait3A_550] : memref<16x2x56x1024xf32, #tpu.memory_space<vmem_shared>> -> memref<1x1x8x1024xf32, #tpu.memory_space<vmem_shared>>
      %dma_wait3A_552 = tpu.memref_squeeze %dma_wait3A_551 : memref<1x1x8x1024xf32, #tpu.memory_space<vmem_shared>> -> memref<8x1024xf32, #tpu.memory_space<vmem_shared>>
      tpu.wait_dma2 semaphore(%run_scoped3A_544 : memref<!tpu.dma_semaphore, #tpu.memory_space<semaphore_mem>>) src(%arg3 : memref<8x1024xf32, #tpu.memory_space<hbm>>) dst(%dma_wait3A_552 : memref<8x1024xf32, #tpu.memory_space<vmem_shared>>)
      tpu.yield
    }) : () -> ()
    %get3A = arith.constant 0 : index
    %get3A_361 = tpu.vector_load %arg7[%get3A] {strides = array<i32>} : memref<16xi32, #tpu.memory_space<vmem>>, vector<16xi32>,
    %iota3A = tpu.iota {dimensions = array<i32: 0>} : vector<16xi32>
    %eq3A = arith.constant 0 : i32
    %eq3A_362 = vector.broadcast %eq3A : i32 to vector<16xi32>
    %eq3A_363 = arith.cmpi eq, %iota3A, %eq3A_362 : vector<16xi32>
    %jit3A = arith.constant -1 : i32
    %broadcast_in_dim3A = vector.broadcast %jit3A : i32 to vector<16xi32>
    %select_n3A = arith.select %eq3A_363, %get3A_361, %broadcast_in_dim3A : vector<16xi1>, vector<16xi32>
    %reduce_max3A = arith.constant true
    %reduce_max3A_364 = vector.broadcast %reduce_max3A : i1 to vector<16xi1>
    %reduce_max3A_365 = arith.constant -2147483648 : i32
    %reduce_max3A_366 = vector.broadcast %reduce_max3A_365 : i32 to vector<16xi32>
    %reduce_max3A_367 = arith.xori %select_n3A, %reduce_max3A_366 : vector<16xi32>
    %reduce_max3A_368 = tpu.scan <max>, %reduce_max3A_367 masked %reduce_max3A_364 : vector<16xi32>, vector<16xi1> -> vector<16xi32>
    %reduce_max3A_369 = arith.xori %reduce_max3A_368, %reduce_max3A_366 : vector<16xi32>
    %reduce_max3A_370 = vector.extract %reduce_max3A_369[15] : i32 from vector<16xi32>
    %add3A_371 = arith.constant 0 : i32
    %add3A_372 = arith.addi %add3A_371, %reduce_max3A_370 : i32
    %ge3A = arith.cmpi sge, %add3A_372, %mul3A_2 : i32
    %add3A_373 = arith.constant 512 : i32
    %add3A_374 = arith.addi %mul3A_2, %add3A_373 : i32
    %lt3A = arith.cmpi slt, %add3A_372, %add3A_374 : i32
    %and3A = arith.andi %ge3A, %lt3A : i1
    %convert_element_type3A = arith.extui %and3A : i1 to i32
    %cond3A = arith.constant 0 : i32
    %cond3A_375 = arith.cmpi ne, %convert_element_type3A, %cond3A : i32
    scf.if %cond3A_375 {
      %run_scoped3A_544 = arith.constant 0 : i32
      "tpu.region"() ({
        %run_scoped3A_545 = tpu.sem_alloc : memref<!tpu.dma_semaphore, #tpu.memory_space<semaphore_mem>>
        %dma_start3A_546 = arith.constant 0 : i32
        %dma_start3A_547 = tpu.memref_slice %arg5[%add3A_372, %dma_start3A_546] : memref<16384x1024xf32, #tpu.memory_space<hbm>> -> memref<1x1024xf32, #tpu.memory_space<hbm>>
        %dma_start3A_548 = arith.constant 0 : i32
        %dma_start3A_549 = arith.constant 0 : i32
        %dma_start3A_550 = tpu.memref_slice %arg6[%arg1, %run_scoped3A_544, %dma_start3A_548, %dma_start3A_549] : memref<16x2x56x1024xf32, #tpu.memory_space<vmem_shared>> -> memref<1x1x1x1024xf32, #tpu.memory_space<vmem_shared>>
        %dma_start3A_551 = tpu.memref_squeeze %dma_start3A_550 : memref<1x1x1x1024xf32, #tpu.memory_space<vmem_shared>> -> memref<1x1024xf32, #tpu.memory_space<vmem_shared>>
        tpu.enqueue_dma source(%dma_start3A_551 : memref<1x1024xf32, #tpu.memory_space<vmem_shared>>) target(%dma_start3A_547 : memref<1x1024xf32, #tpu.memory_space<hbm>>) target_semaphore(%run_scoped3A_545 : memref<!tpu.dma_semaphore, #tpu.memory_space<semaphore_mem>>)
        %dma_wait3A_552 = arith.constant 0 : i32
        %dma_wait3A_553 = tpu.memref_slice %arg5[%add3A_372, %dma_wait3A_552] : memref<16384x1024xf32, #tpu.memory_space<hbm>> -> memref<1x1024xf32, #tpu.memory_space<hbm>>
        %dma_wait3A_554 = arith.constant 0 : i32
        %dma_wait3A_555 = arith.constant 0 : i32
        %dma_wait3A_556 = tpu.memref_slice %arg6[%arg1, %run_scoped3A_544, %dma_wait3A_554, %dma_wait3A_555] : memref<16x2x56x1024xf32, #tpu.memory_space<vmem_shared>> -> memref<1x1x1x1024xf32, #tpu.memory_space<vmem_shared>>
        %dma_wait3A_557 = tpu.memref_squeeze %dma_wait3A_556 : memref<1x1x1x1024xf32, #tpu.memory_space<vmem_shared>> -> memref<1x1024xf32, #tpu.memory_space<vmem_shared>>
        tpu.wait_dma2 semaphore(%run_scoped3A_545 : memref<!tpu.dma_semaphore, #tpu.memory_space<semaphore_mem>>) src(%dma_wait3A_557 : memref<1x1024xf32, #tpu.memory_space<vmem_shared>>) dst(%dma_wait3A_553 : memref<1x1024xf32, #tpu.memory_space<hbm>>)
        tpu.yield
      }) : () -> ()
    } else {
    }
    %eq3A_376 = arith.constant 1 : i32
    %eq3A_377 = vector.broadcast %eq3A_376 : i32 to vector<16xi32>
    %eq3A_378 = arith.cmpi eq, %iota3A, %eq3A_377 : vector<16xi32>
    %jit3A_379 = arith.constant -1 : i32
    %broadcast_in_dim3A_380 = vector.broadcast %jit3A_379 : i32 to vector<16xi32>
    %select_n3A_381 = arith.select %eq3A_378, %get3A_361, %broadcast_in_dim3A_380 : vector<16xi1>, vector<16xi32>
    %reduce_max3A_382 = arith.constant true
    %reduce_max3A_383 = vector.broadcast %reduce_max3A_382 : i1 to vector<16xi1>
    %reduce_max3A_384 = arith.constant -2147483648 : i32
    %reduce_max3A_385 = vector.broadcast %reduce_max3A_384 : i32 to vector<16xi32>
    %reduce_max3A_386 = arith.xori %select_n3A_381, %reduce_max3A_385 : vector<16xi32>
    %reduce_max3A_387 = tpu.scan <max>, %reduce_max3A_386 masked %reduce_max3A_383 : vector<16xi32>, vector<16xi1> -> vector<16xi32>
    %reduce_max3A_388 = arith.xori %reduce_max3A_387, %reduce_max3A_385 : vector<16xi32>
    %reduce_max3A_389 = vector.extract %reduce_max3A_388[15] : i32 from vector<16xi32>
    %add3A_390 = arith.constant 2048 : i32
    %add3A_391 = arith.addi %add3A_390, %reduce_max3A_389 : i32
    %ge3A_392 = arith.cmpi sge, %add3A_391, %mul3A_2 : i32
    %add3A_393 = arith.constant 512 : i32
    %add3A_394 = arith.addi %mul3A_2, %add3A_393 : i32
    %lt3A_395 = arith.cmpi slt, %add3A_391, %add3A_394 : i32
    %and3A_396 = arith.andi %ge3A_392, %lt3A_395 : i1
    %convert_element_type3A_397 = arith.extui %and3A_396 : i1 to i32
    %cond3A_398 = arith.constant 0 : i32
    %cond3A_399 = arith.cmpi ne, %convert_element_type3A_397, %cond3A_398 : i32
    scf.if %cond3A_399 {
      %run_scoped3A_544 = arith.constant 0 : i32
      "tpu.region"() ({
        %run_scoped3A_545 = tpu.sem_alloc : memref<!tpu.dma_semaphore, #tpu.memory_space<semaphore_mem>>
        %dma_start3A_546 = arith.constant 0 : i32
        %dma_start3A_547 = tpu.memref_slice %arg5[%add3A_391, %dma_start3A_546] : memref<16384x1024xf32, #tpu.memory_space<hbm>> -> memref<1x1024xf32, #tpu.memory_space<hbm>>
        %dma_start3A_548 = arith.constant 1 : i32
        %dma_start3A_549 = arith.constant 0 : i32
        %dma_start3A_550 = tpu.memref_slice %arg6[%arg1, %run_scoped3A_544, %dma_start3A_548, %dma_start3A_549] : memref<16x2x56x1024xf32, #tpu.memory_space<vmem_shared>> -> memref<1x1x1x1024xf32, #tpu.memory_space<vmem_shared>>
        %dma_start3A_551 = tpu.memref_squeeze %dma_start3A_550 : memref<1x1x1x1024xf32, #tpu.memory_space<vmem_shared>> -> memref<1x1024xf32, #tpu.memory_space<vmem_shared>>
        tpu.enqueue_dma source(%dma_start3A_551 : memref<1x1024xf32, #tpu.memory_space<vmem_shared>>) target(%dma_start3A_547 : memref<1x1024xf32, #tpu.memory_space<hbm>>) target_semaphore(%run_scoped3A_545 : memref<!tpu.dma_semaphore, #tpu.memory_space<semaphore_mem>>)
        %dma_wait3A_552 = arith.constant 0 : i32
        %dma_wait3A_553 = tpu.memref_slice %arg5[%add3A_391, %dma_wait3A_552] : memref<16384x1024xf32, #tpu.memory_space<hbm>> -> memref<1x1024xf32, #tpu.memory_space<hbm>>
        %dma_wait3A_554 = arith.constant 1 : i32
        %dma_wait3A_555 = arith.constant 0 : i32
        %dma_wait3A_556 = tpu.memref_slice %arg6[%arg1, %run_scoped3A_544, %dma_wait3A_554, %dma_wait3A_555] : memref<16x2x56x1024xf32, #tpu.memory_space<vmem_shared>> -> memref<1x1x1x1024xf32, #tpu.memory_space<vmem_shared>>
        %dma_wait3A_557 = tpu.memref_squeeze %dma_wait3A_556 : memref<1x1x1x1024xf32, #tpu.memory_space<vmem_shared>> -> memref<1x1024xf32, #tpu.memory_space<vmem_shared>>
        tpu.wait_dma2 semaphore(%run_scoped3A_545 : memref<!tpu.dma_semaphore, #tpu.memory_space<semaphore_mem>>) src(%dma_wait3A_557 : memref<1x1024xf32, #tpu.memory_space<vmem_shared>>) dst(%dma_wait3A_553 : memref<1x1024xf32, #tpu.memory_space<hbm>>)
        tpu.yield
      }) : () -> ()
    } else {
    }
    %eq3A_400 = arith.constant 2 : i32
    %eq3A_401 = vector.broadcast %eq3A_400 : i32 to vector<16xi32>
    %eq3A_402 = arith.cmpi eq, %iota3A, %eq3A_401 : vector<16xi32>
    %jit3A_403 = arith.constant -1 : i32
    %broadcast_in_dim3A_404 = vector.broadcast %jit3A_403 : i32 to vector<16xi32>
    %select_n3A_405 = arith.select %eq3A_402, %get3A_361, %broadcast_in_dim3A_404 : vector<16xi1>, vector<16xi32>
    %reduce_max3A_406 = arith.constant true
    %reduce_max3A_407 = vector.broadcast %reduce_max3A_406 : i1 to vector<16xi1>
    %reduce_max3A_408 = arith.constant -2147483648 : i32
    %reduce_max3A_409 = vector.broadcast %reduce_max3A_408 : i32 to vector<16xi32>
    %reduce_max3A_410 = arith.xori %select_n3A_405, %reduce_max3A_409 : vector<16xi32>
    %reduce_max3A_411 = tpu.scan <max>, %reduce_max3A_410 masked %reduce_max3A_407 : vector<16xi32>, vector<16xi1> -> vector<16xi32>
    %reduce_max3A_412 = arith.xori %reduce_max3A_411, %reduce_max3A_409 : vector<16xi32>
    %reduce_max3A_413 = vector.extract %reduce_max3A_412[15] : i32 from vector<16xi32>
    %add3A_414 = arith.constant 4096 : i32
    %add3A_415 = arith.addi %add3A_414, %reduce_max3A_413 : i32
    %ge3A_416 = arith.cmpi sge, %add3A_415, %mul3A_2 : i32
    %add3A_417 = arith.constant 512 : i32
    %add3A_418 = arith.addi %mul3A_2, %add3A_417 : i32
    %lt3A_419 = arith.cmpi slt, %add3A_415, %add3A_418 : i32
    %and3A_420 = arith.andi %ge3A_416, %lt3A_419 : i1
    %convert_element_type3A_421 = arith.extui %and3A_420 : i1 to i32
    %cond3A_422 = arith.constant 0 : i32
    %cond3A_423 = arith.cmpi ne, %convert_element_type3A_421, %cond3A_422 : i32
    scf.if %cond3A_423 {
      %run_scoped3A_544 = arith.constant 0 : i32
      "tpu.region"() ({
        %run_scoped3A_545 = tpu.sem_alloc : memref<!tpu.dma_semaphore, #tpu.memory_space<semaphore_mem>>
        %dma_start3A_546 = arith.constant 0 : i32
        %dma_start3A_547 = tpu.memref_slice %arg5[%add3A_415, %dma_start3A_546] : memref<16384x1024xf32, #tpu.memory_space<hbm>> -> memref<1x1024xf32, #tpu.memory_space<hbm>>
        %dma_start3A_548 = arith.constant 2 : i32
        %dma_start3A_549 = arith.constant 0 : i32
        %dma_start3A_550 = tpu.memref_slice %arg6[%arg1, %run_scoped3A_544, %dma_start3A_548, %dma_start3A_549] : memref<16x2x56x1024xf32, #tpu.memory_space<vmem_shared>> -> memref<1x1x1x1024xf32, #tpu.memory_space<vmem_shared>>
        %dma_start3A_551 = tpu.memref_squeeze %dma_start3A_550 : memref<1x1x1x1024xf32, #tpu.memory_space<vmem_shared>> -> memref<1x1024xf32, #tpu.memory_space<vmem_shared>>
        tpu.enqueue_dma source(%dma_start3A_551 : memref<1x1024xf32, #tpu.memory_space<vmem_shared>>) target(%dma_start3A_547 : memref<1x1024xf32, #tpu.memory_space<hbm>>) target_semaphore(%run_scoped3A_545 : memref<!tpu.dma_semaphore, #tpu.memory_space<semaphore_mem>>)
        %dma_wait3A_552 = arith.constant 0 : i32
        %dma_wait3A_553 = tpu.memref_slice %arg5[%add3A_415, %dma_wait3A_552] : memref<16384x1024xf32, #tpu.memory_space<hbm>> -> memref<1x1024xf32, #tpu.memory_space<hbm>>
        %dma_wait3A_554 = arith.constant 2 : i32
        %dma_wait3A_555 = arith.constant 0 : i32
        %dma_wait3A_556 = tpu.memref_slice %arg6[%arg1, %run_scoped3A_544, %dma_wait3A_554, %dma_wait3A_555] : memref<16x2x56x1024xf32, #tpu.memory_space<vmem_shared>> -> memref<1x1x1x1024xf32, #tpu.memory_space<vmem_shared>>
        %dma_wait3A_557 = tpu.memref_squeeze %dma_wait3A_556 : memref<1x1x1x1024xf32, #tpu.memory_space<vmem_shared>> -> memref<1x1024xf32, #tpu.memory_space<vmem_shared>>
        tpu.wait_dma2 semaphore(%run_scoped3A_545 : memref<!tpu.dma_semaphore, #tpu.memory_space<semaphore_mem>>) src(%dma_wait3A_557 : memref<1x1024xf32, #tpu.memory_space<vmem_shared>>) dst(%dma_wait3A_553 : memref<1x1024xf32, #tpu.memory_space<hbm>>)
        tpu.yield
      }) : () -> ()
    } else {
    }
    %eq3A_424 = arith.constant 3 : i32
    %eq3A_425 = vector.broadcast %eq3A_424 : i32 to vector<16xi32>
    %eq3A_426 = arith.cmpi eq, %iota3A, %eq3A_425 : vector<16xi32>
    %jit3A_427 = arith.constant -1 : i32
    %broadcast_in_dim3A_428 = vector.broadcast %jit3A_427 : i32 to vector<16xi32>
    %select_n3A_429 = arith.select %eq3A_426, %get3A_361, %broadcast_in_dim3A_428 : vector<16xi1>, vector<16xi32>
    %reduce_max3A_430 = arith.constant true
    %reduce_max3A_431 = vector.broadcast %reduce_max3A_430 : i1 to vector<16xi1>
    %reduce_max3A_432 = arith.constant -2147483648 : i32
    %reduce_max3A_433 = vector.broadcast %reduce_max3A_432 : i32 to vector<16xi32>
    %reduce_max3A_434 = arith.xori %select_n3A_429, %reduce_max3A_433 : vector<16xi32>
    %reduce_max3A_435 = tpu.scan <max>, %reduce_max3A_434 masked %reduce_max3A_431 : vector<16xi32>, vector<16xi1> -> vector<16xi32>
    %reduce_max3A_436 = arith.xori %reduce_max3A_435, %reduce_max3A_433 : vector<16xi32>
    %reduce_max3A_437 = vector.extract %reduce_max3A_436[15] : i32 from vector<16xi32>
    %add3A_438 = arith.constant 6144 : i32
    %add3A_439 = arith.addi %add3A_438, %reduce_max3A_437 : i32
    %ge3A_440 = arith.cmpi sge, %add3A_439, %mul3A_2 : i32
    %add3A_441 = arith.constant 512 : i32
    %add3A_442 = arith.addi %mul3A_2, %add3A_441 : i32
    %lt3A_443 = arith.cmpi slt, %add3A_439, %add3A_442 : i32
    %and3A_444 = arith.andi %ge3A_440, %lt3A_443 : i1
    %convert_element_type3A_445 = arith.extui %and3A_444 : i1 to i32
    %cond3A_446 = arith.constant 0 : i32
    %cond3A_447 = arith.cmpi ne, %convert_element_type3A_445, %cond3A_446 : i32
    scf.if %cond3A_447 {
      %run_scoped3A_544 = arith.constant 0 : i32
      "tpu.region"() ({
        %run_scoped3A_545 = tpu.sem_alloc : memref<!tpu.dma_semaphore, #tpu.memory_space<semaphore_mem>>
        %dma_start3A_546 = arith.constant 0 : i32
        %dma_start3A_547 = tpu.memref_slice %arg5[%add3A_439, %dma_start3A_546] : memref<16384x1024xf32, #tpu.memory_space<hbm>> -> memref<1x1024xf32, #tpu.memory_space<hbm>>
        %dma_start3A_548 = arith.constant 3 : i32
        %dma_start3A_549 = arith.constant 0 : i32
        %dma_start3A_550 = tpu.memref_slice %arg6[%arg1, %run_scoped3A_544, %dma_start3A_548, %dma_start3A_549] : memref<16x2x56x1024xf32, #tpu.memory_space<vmem_shared>> -> memref<1x1x1x1024xf32, #tpu.memory_space<vmem_shared>>
        %dma_start3A_551 = tpu.memref_squeeze %dma_start3A_550 : memref<1x1x1x1024xf32, #tpu.memory_space<vmem_shared>> -> memref<1x1024xf32, #tpu.memory_space<vmem_shared>>
        tpu.enqueue_dma source(%dma_start3A_551 : memref<1x1024xf32, #tpu.memory_space<vmem_shared>>) target(%dma_start3A_547 : memref<1x1024xf32, #tpu.memory_space<hbm>>) target_semaphore(%run_scoped3A_545 : memref<!tpu.dma_semaphore, #tpu.memory_space<semaphore_mem>>)
        %dma_wait3A_552 = arith.constant 0 : i32
        %dma_wait3A_553 = tpu.memref_slice %arg5[%add3A_439, %dma_wait3A_552] : memref<16384x1024xf32, #tpu.memory_space<hbm>> -> memref<1x1024xf32, #tpu.memory_space<hbm>>
        %dma_wait3A_554 = arith.constant 3 : i32
        %dma_wait3A_555 = arith.constant 0 : i32
        %dma_wait3A_556 = tpu.memref_slice %arg6[%arg1, %run_scoped3A_544, %dma_wait3A_554, %dma_wait3A_555] : memref<16x2x56x1024xf32, #tpu.memory_space<vmem_shared>> -> memref<1x1x1x1024xf32, #tpu.memory_space<vmem_shared>>
        %dma_wait3A_557 = tpu.memref_squeeze %dma_wait3A_556 : memref<1x1x1x1024xf32, #tpu.memory_space<vmem_shared>> -> memref<1x1024xf32, #tpu.memory_space<vmem_shared>>
        tpu.wait_dma2 semaphore(%run_scoped3A_545 : memref<!tpu.dma_semaphore, #tpu.memory_space<semaphore_mem>>) src(%dma_wait3A_557 : memref<1x1024xf32, #tpu.memory_space<vmem_shared>>) dst(%dma_wait3A_553 : memref<1x1024xf32, #tpu.memory_space<hbm>>)
        tpu.yield
      }) : () -> ()
    } else {
    }
    %eq3A_448 = arith.constant 4 : i32
    %eq3A_449 = vector.broadcast %eq3A_448 : i32 to vector<16xi32>
    %eq3A_450 = arith.cmpi eq, %iota3A, %eq3A_449 : vector<16xi32>
    %jit3A_451 = arith.constant -1 : i32
    %broadcast_in_dim3A_452 = vector.broadcast %jit3A_451 : i32 to vector<16xi32>
    %select_n3A_453 = arith.select %eq3A_450, %get3A_361, %broadcast_in_dim3A_452 : vector<16xi1>, vector<16xi32>
    %reduce_max3A_454 = arith.constant true
    %reduce_max3A_455 = vector.broadcast %reduce_max3A_454 : i1 to vector<16xi1>
    %reduce_max3A_456 = arith.constant -2147483648 : i32
    %reduce_max3A_457 = vector.broadcast %reduce_max3A_456 : i32 to vector<16xi32>
    %reduce_max3A_458 = arith.xori %select_n3A_453, %reduce_max3A_457 : vector<16xi32>
    %reduce_max3A_459 = tpu.scan <max>, %reduce_max3A_458 masked %reduce_max3A_455 : vector<16xi32>, vector<16xi1> -> vector<16xi32>
    %reduce_max3A_460 = arith.xori %reduce_max3A_459, %reduce_max3A_457 : vector<16xi32>
    %reduce_max3A_461 = vector.extract %reduce_max3A_460[15] : i32 from vector<16xi32>
    %add3A_462 = arith.constant 8192 : i32
    %add3A_463 = arith.addi %add3A_462, %reduce_max3A_461 : i32
    %ge3A_464 = arith.cmpi sge, %add3A_463, %mul3A_2 : i32
    %add3A_465 = arith.constant 512 : i32
    %add3A_466 = arith.addi %mul3A_2, %add3A_465 : i32
    %lt3A_467 = arith.cmpi slt, %add3A_463, %add3A_466 : i32
    %and3A_468 = arith.andi %ge3A_464, %lt3A_467 : i1
    %convert_element_type3A_469 = arith.extui %and3A_468 : i1 to i32
    %cond3A_470 = arith.constant 0 : i32
    %cond3A_471 = arith.cmpi ne, %convert_element_type3A_469, %cond3A_470 : i32
    scf.if %cond3A_471 {
      %run_scoped3A_544 = arith.constant 0 : i32
      "tpu.region"() ({
        %run_scoped3A_545 = tpu.sem_alloc : memref<!tpu.dma_semaphore, #tpu.memory_space<semaphore_mem>>
        %dma_start3A_546 = arith.constant 0 : i32
        %dma_start3A_547 = tpu.memref_slice %arg5[%add3A_463, %dma_start3A_546] : memref<16384x1024xf32, #tpu.memory_space<hbm>> -> memref<1x1024xf32, #tpu.memory_space<hbm>>
        %dma_start3A_548 = arith.constant 4 : i32
        %dma_start3A_549 = arith.constant 0 : i32
        %dma_start3A_550 = tpu.memref_slice %arg6[%arg1, %run_scoped3A_544, %dma_start3A_548, %dma_start3A_549] : memref<16x2x56x1024xf32, #tpu.memory_space<vmem_shared>> -> memref<1x1x1x1024xf32, #tpu.memory_space<vmem_shared>>
        %dma_start3A_551 = tpu.memref_squeeze %dma_start3A_550 : memref<1x1x1x1024xf32, #tpu.memory_space<vmem_shared>> -> memref<1x1024xf32, #tpu.memory_space<vmem_shared>>
        tpu.enqueue_dma source(%dma_start3A_551 : memref<1x1024xf32, #tpu.memory_space<vmem_shared>>) target(%dma_start3A_547 : memref<1x1024xf32, #tpu.memory_space<hbm>>) target_semaphore(%run_scoped3A_545 : memref<!tpu.dma_semaphore, #tpu.memory_space<semaphore_mem>>)
        %dma_wait3A_552 = arith.constant 0 : i32
        %dma_wait3A_553 = tpu.memref_slice %arg5[%add3A_463, %dma_wait3A_552] : memref<16384x1024xf32, #tpu.memory_space<hbm>> -> memref<1x1024xf32, #tpu.memory_space<hbm>>
        %dma_wait3A_554 = arith.constant 4 : i32
        %dma_wait3A_555 = arith.constant 0 : i32
        %dma_wait3A_556 = tpu.memref_slice %arg6[%arg1, %run_scoped3A_544, %dma_wait3A_554, %dma_wait3A_555] : memref<16x2x56x1024xf32, #tpu.memory_space<vmem_shared>> -> memref<1x1x1x1024xf32, #tpu.memory_space<vmem_shared>>
        %dma_wait3A_557 = tpu.memref_squeeze %dma_wait3A_556 : memref<1x1x1x1024xf32, #tpu.memory_space<vmem_shared>> -> memref<1x1024xf32, #tpu.memory_space<vmem_shared>>
        tpu.wait_dma2 semaphore(%run_scoped3A_545 : memref<!tpu.dma_semaphore, #tpu.memory_space<semaphore_mem>>) src(%dma_wait3A_557 : memref<1x1024xf32, #tpu.memory_space<vmem_shared>>) dst(%dma_wait3A_553 : memref<1x1024xf32, #tpu.memory_space<hbm>>)
        tpu.yield
      }) : () -> ()
    } else {
    }
    %eq3A_472 = arith.constant 5 : i32
    %eq3A_473 = vector.broadcast %eq3A_472 : i32 to vector<16xi32>
    %eq3A_474 = arith.cmpi eq, %iota3A, %eq3A_473 : vector<16xi32>
    %jit3A_475 = arith.constant -1 : i32
    %broadcast_in_dim3A_476 = vector.broadcast %jit3A_475 : i32 to vector<16xi32>
    %select_n3A_477 = arith.select %eq3A_474, %get3A_361, %broadcast_in_dim3A_476 : vector<16xi1>, vector<16xi32>
    %reduce_max3A_478 = arith.constant true
    %reduce_max3A_479 = vector.broadcast %reduce_max3A_478 : i1 to vector<16xi1>
    %reduce_max3A_480 = arith.constant -2147483648 : i32
    %reduce_max3A_481 = vector.broadcast %reduce_max3A_480 : i32 to vector<16xi32>
    %reduce_max3A_482 = arith.xori %select_n3A_477, %reduce_max3A_481 : vector<16xi32>
    %reduce_max3A_483 = tpu.scan <max>, %reduce_max3A_482 masked %reduce_max3A_479 : vector<16xi32>, vector<16xi1> -> vector<16xi32>
    %reduce_max3A_484 = arith.xori %reduce_max3A_483, %reduce_max3A_481 : vector<16xi32>
    %reduce_max3A_485 = vector.extract %reduce_max3A_484[15] : i32 from vector<16xi32>
    %add3A_486 = arith.constant 10240 : i32
    %add3A_487 = arith.addi %add3A_486, %reduce_max3A_485 : i32
    %ge3A_488 = arith.cmpi sge, %add3A_487, %mul3A_2 : i32
    %add3A_489 = arith.constant 512 : i32
    %add3A_490 = arith.addi %mul3A_2, %add3A_489 : i32
    %lt3A_491 = arith.cmpi slt, %add3A_487, %add3A_490 : i32
    %and3A_492 = arith.andi %ge3A_488, %lt3A_491 : i1
    %convert_element_type3A_493 = arith.extui %and3A_492 : i1 to i32
    %cond3A_494 = arith.constant 0 : i32
    %cond3A_495 = arith.cmpi ne, %convert_element_type3A_493, %cond3A_494 : i32
    scf.if %cond3A_495 {
      %run_scoped3A_544 = arith.constant 0 : i32
      "tpu.region"() ({
        %run_scoped3A_545 = tpu.sem_alloc : memref<!tpu.dma_semaphore, #tpu.memory_space<semaphore_mem>>
        %dma_start3A_546 = arith.constant 0 : i32
        %dma_start3A_547 = tpu.memref_slice %arg5[%add3A_487, %dma_start3A_546] : memref<16384x1024xf32, #tpu.memory_space<hbm>> -> memref<1x1024xf32, #tpu.memory_space<hbm>>
        %dma_start3A_548 = arith.constant 5 : i32
        %dma_start3A_549 = arith.constant 0 : i32
        %dma_start3A_550 = tpu.memref_slice %arg6[%arg1, %run_scoped3A_544, %dma_start3A_548, %dma_start3A_549] : memref<16x2x56x1024xf32, #tpu.memory_space<vmem_shared>> -> memref<1x1x1x1024xf32, #tpu.memory_space<vmem_shared>>
        %dma_start3A_551 = tpu.memref_squeeze %dma_start3A_550 : memref<1x1x1x1024xf32, #tpu.memory_space<vmem_shared>> -> memref<1x1024xf32, #tpu.memory_space<vmem_shared>>
        tpu.enqueue_dma source(%dma_start3A_551 : memref<1x1024xf32, #tpu.memory_space<vmem_shared>>) target(%dma_start3A_547 : memref<1x1024xf32, #tpu.memory_space<hbm>>) target_semaphore(%run_scoped3A_545 : memref<!tpu.dma_semaphore, #tpu.memory_space<semaphore_mem>>)
        %dma_wait3A_552 = arith.constant 0 : i32
        %dma_wait3A_553 = tpu.memref_slice %arg5[%add3A_487, %dma_wait3A_552] : memref<16384x1024xf32, #tpu.memory_space<hbm>> -> memref<1x1024xf32, #tpu.memory_space<hbm>>
        %dma_wait3A_554 = arith.constant 5 : i32
        %dma_wait3A_555 = arith.constant 0 : i32
        %dma_wait3A_556 = tpu.memref_slice %arg6[%arg1, %run_scoped3A_544, %dma_wait3A_554, %dma_wait3A_555] : memref<16x2x56x1024xf32, #tpu.memory_space<vmem_shared>> -> memref<1x1x1x1024xf32, #tpu.memory_space<vmem_shared>>
        %dma_wait3A_557 = tpu.memref_squeeze %dma_wait3A_556 : memref<1x1x1x1024xf32, #tpu.memory_space<vmem_shared>> -> memref<1x1024xf32, #tpu.memory_space<vmem_shared>>
        tpu.wait_dma2 semaphore(%run_scoped3A_545 : memref<!tpu.dma_semaphore, #tpu.memory_space<semaphore_mem>>) src(%dma_wait3A_557 : memref<1x1024xf32, #tpu.memory_space<vmem_shared>>) dst(%dma_wait3A_553 : memref<1x1024xf32, #tpu.memory_space<hbm>>)
        tpu.yield
      }) : () -> ()
    } else {
    }
    %eq3A_496 = arith.constant 6 : i32
    %eq3A_497 = vector.broadcast %eq3A_496 : i32 to vector<16xi32>
    %eq3A_498 = arith.cmpi eq, %iota3A, %eq3A_497 : vector<16xi32>
    %jit3A_499 = arith.constant -1 : i32
    %broadcast_in_dim3A_500 = vector.broadcast %jit3A_499 : i32 to vector<16xi32>
    %select_n3A_501 = arith.select %eq3A_498, %get3A_361, %broadcast_in_dim3A_500 : vector<16xi1>, vector<16xi32>
    %reduce_max3A_502 = arith.constant true
    %reduce_max3A_503 = vector.broadcast %reduce_max3A_502 : i1 to vector<16xi1>
    %reduce_max3A_504 = arith.constant -2147483648 : i32
    %reduce_max3A_505 = vector.broadcast %reduce_max3A_504 : i32 to vector<16xi32>
    %reduce_max3A_506 = arith.xori %select_n3A_501, %reduce_max3A_505 : vector<16xi32>
    %reduce_max3A_507 = tpu.scan <max>, %reduce_max3A_506 masked %reduce_max3A_503 : vector<16xi32>, vector<16xi1> -> vector<16xi32>
    %reduce_max3A_508 = arith.xori %reduce_max3A_507, %reduce_max3A_505 : vector<16xi32>
    %reduce_max3A_509 = vector.extract %reduce_max3A_508[15] : i32 from vector<16xi32>
    %add3A_510 = arith.constant 12288 : i32
    %add3A_511 = arith.addi %add3A_510, %reduce_max3A_509 : i32
    %ge3A_512 = arith.cmpi sge, %add3A_511, %mul3A_2 : i32
    %add3A_513 = arith.constant 512 : i32
    %add3A_514 = arith.addi %mul3A_2, %add3A_513 : i32
    %lt3A_515 = arith.cmpi slt, %add3A_511, %add3A_514 : i32
    %and3A_516 = arith.andi %ge3A_512, %lt3A_515 : i1
    %convert_element_type3A_517 = arith.extui %and3A_516 : i1 to i32
    %cond3A_518 = arith.constant 0 : i32
    %cond3A_519 = arith.cmpi ne, %convert_element_type3A_517, %cond3A_518 : i32
    scf.if %cond3A_519 {
      %run_scoped3A_544 = arith.constant 0 : i32
      "tpu.region"() ({
        %run_scoped3A_545 = tpu.sem_alloc : memref<!tpu.dma_semaphore, #tpu.memory_space<semaphore_mem>>
        %dma_start3A_546 = arith.constant 0 : i32
        %dma_start3A_547 = tpu.memref_slice %arg5[%add3A_511, %dma_start3A_546] : memref<16384x1024xf32, #tpu.memory_space<hbm>> -> memref<1x1024xf32, #tpu.memory_space<hbm>>
        %dma_start3A_548 = arith.constant 6 : i32
        %dma_start3A_549 = arith.constant 0 : i32
        %dma_start3A_550 = tpu.memref_slice %arg6[%arg1, %run_scoped3A_544, %dma_start3A_548, %dma_start3A_549] : memref<16x2x56x1024xf32, #tpu.memory_space<vmem_shared>> -> memref<1x1x1x1024xf32, #tpu.memory_space<vmem_shared>>
        %dma_start3A_551 = tpu.memref_squeeze %dma_start3A_550 : memref<1x1x1x1024xf32, #tpu.memory_space<vmem_shared>> -> memref<1x1024xf32, #tpu.memory_space<vmem_shared>>
        tpu.enqueue_dma source(%dma_start3A_551 : memref<1x1024xf32, #tpu.memory_space<vmem_shared>>) target(%dma_start3A_547 : memref<1x1024xf32, #tpu.memory_space<hbm>>) target_semaphore(%run_scoped3A_545 : memref<!tpu.dma_semaphore, #tpu.memory_space<semaphore_mem>>)
        %dma_wait3A_552 = arith.constant 0 : i32
        %dma_wait3A_553 = tpu.memref_slice %arg5[%add3A_511, %dma_wait3A_552] : memref<16384x1024xf32, #tpu.memory_space<hbm>> -> memref<1x1024xf32, #tpu.memory_space<hbm>>
        %dma_wait3A_554 = arith.constant 6 : i32
        %dma_wait3A_555 = arith.constant 0 : i32
        %dma_wait3A_556 = tpu.memref_slice %arg6[%arg1, %run_scoped3A_544, %dma_wait3A_554, %dma_wait3A_555] : memref<16x2x56x1024xf32, #tpu.memory_space<vmem_shared>> -> memref<1x1x1x1024xf32, #tpu.memory_space<vmem_shared>>
        %dma_wait3A_557 = tpu.memref_squeeze %dma_wait3A_556 : memref<1x1x1x1024xf32, #tpu.memory_space<vmem_shared>> -> memref<1x1024xf32, #tpu.memory_space<vmem_shared>>
        tpu.wait_dma2 semaphore(%run_scoped3A_545 : memref<!tpu.dma_semaphore, #tpu.memory_space<semaphore_mem>>) src(%dma_wait3A_557 : memref<1x1024xf32, #tpu.memory_space<vmem_shared>>) dst(%dma_wait3A_553 : memref<1x1024xf32, #tpu.memory_space<hbm>>)
        tpu.yield
      }) : () -> ()
    } else {
    }
    %eq3A_520 = arith.constant 7 : i32
    %eq3A_521 = vector.broadcast %eq3A_520 : i32 to vector<16xi32>
    %eq3A_522 = arith.cmpi eq, %iota3A, %eq3A_521 : vector<16xi32>
    %jit3A_523 = arith.constant -1 : i32
    %broadcast_in_dim3A_524 = vector.broadcast %jit3A_523 : i32 to vector<16xi32>
    %select_n3A_525 = arith.select %eq3A_522, %get3A_361, %broadcast_in_dim3A_524 : vector<16xi1>, vector<16xi32>
    %reduce_max3A_526 = arith.constant true
    %reduce_max3A_527 = vector.broadcast %reduce_max3A_526 : i1 to vector<16xi1>
    %reduce_max3A_528 = arith.constant -2147483648 : i32
    %reduce_max3A_529 = vector.broadcast %reduce_max3A_528 : i32 to vector<16xi32>
    %reduce_max3A_530 = arith.xori %select_n3A_525, %reduce_max3A_529 : vector<16xi32>
    %reduce_max3A_531 = tpu.scan <max>, %reduce_max3A_530 masked %reduce_max3A_527 : vector<16xi32>, vector<16xi1> -> vector<16xi32>
    %reduce_max3A_532 = arith.xori %reduce_max3A_531, %reduce_max3A_529 : vector<16xi32>
    %reduce_max3A_533 = vector.extract %reduce_max3A_532[15] : i32 from vector<16xi32>
    %add3A_534 = arith.constant 14336 : i32
    %add3A_535 = arith.addi %add3A_534, %reduce_max3A_533 : i32
    %ge3A_536 = arith.cmpi sge, %add3A_535, %mul3A_2 : i32
    %add3A_537 = arith.constant 512 : i32
    %add3A_538 = arith.addi %mul3A_2, %add3A_537 : i32
    %lt3A_539 = arith.cmpi slt, %add3A_535, %add3A_538 : i32
    %and3A_540 = arith.andi %ge3A_536, %lt3A_539 : i1
    %convert_element_type3A_541 = arith.extui %and3A_540 : i1 to i32
    %cond3A_542 = arith.constant 0 : i32
    %cond3A_543 = arith.cmpi ne, %convert_element_type3A_541, %cond3A_542 : i32
    scf.if %cond3A_543 {
      %run_scoped3A_544 = arith.constant 0 : i32
      "tpu.region"() ({
        %run_scoped3A_545 = tpu.sem_alloc : memref<!tpu.dma_semaphore, #tpu.memory_space<semaphore_mem>>
        %dma_start3A_546 = arith.constant 0 : i32
        %dma_start3A_547 = tpu.memref_slice %arg5[%add3A_535, %dma_start3A_546] : memref<16384x1024xf32, #tpu.memory_space<hbm>> -> memref<1x1024xf32, #tpu.memory_space<hbm>>
        %dma_start3A_548 = arith.constant 7 : i32
        %dma_start3A_549 = arith.constant 0 : i32
        %dma_start3A_550 = tpu.memref_slice %arg6[%arg1, %run_scoped3A_544, %dma_start3A_548, %dma_start3A_549] : memref<16x2x56x1024xf32, #tpu.memory_space<vmem_shared>> -> memref<1x1x1x1024xf32, #tpu.memory_space<vmem_shared>>
        %dma_start3A_551 = tpu.memref_squeeze %dma_start3A_550 : memref<1x1x1x1024xf32, #tpu.memory_space<vmem_shared>> -> memref<1x1024xf32, #tpu.memory_space<vmem_shared>>
        tpu.enqueue_dma source(%dma_start3A_551 : memref<1x1024xf32, #tpu.memory_space<vmem_shared>>) target(%dma_start3A_547 : memref<1x1024xf32, #tpu.memory_space<hbm>>) target_semaphore(%run_scoped3A_545 : memref<!tpu.dma_semaphore, #tpu.memory_space<semaphore_mem>>)
        %dma_wait3A_552 = arith.constant 0 : i32
        %dma_wait3A_553 = tpu.memref_slice %arg5[%add3A_535, %dma_wait3A_552] : memref<16384x1024xf32, #tpu.memory_space<hbm>> -> memref<1x1024xf32, #tpu.memory_space<hbm>>
        %dma_wait3A_554 = arith.constant 7 : i32
        %dma_wait3A_555 = arith.constant 0 : i32
        %dma_wait3A_556 = tpu.memref_slice %arg6[%arg1, %run_scoped3A_544, %dma_wait3A_554, %dma_wait3A_555] : memref<16x2x56x1024xf32, #tpu.memory_space<vmem_shared>> -> memref<1x1x1x1024xf32, #tpu.memory_space<vmem_shared>>
        %dma_wait3A_557 = tpu.memref_squeeze %dma_wait3A_556 : memref<1x1x1x1024xf32, #tpu.memory_space<vmem_shared>> -> memref<1x1024xf32, #tpu.memory_space<vmem_shared>>
        tpu.wait_dma2 semaphore(%run_scoped3A_545 : memref<!tpu.dma_semaphore, #tpu.memory_space<semaphore_mem>>) src(%dma_wait3A_557 : memref<1x1024xf32, #tpu.memory_space<vmem_shared>>) dst(%dma_wait3A_553 : memref<1x1024xf32, #tpu.memory_space<hbm>>)
        tpu.yield
      }) : () -> ()
    } else {
    }
    return
  }
}

module attributes {stable_mosaic.version = 14 : i64} {
  func.func @_tc_body(%arg0: i32, %arg1: memref<8xi32, #tpu.memory_space<smem>>, %arg2: memref<1x2048x8x128xf32, #tpu.memory_space<vmem>>, %arg3: memref<8x1x8x128xf32, #tpu.memory_space<vmem>>, %arg4: memref<1x2048x8x128xf32, #tpu.memory_space<vmem>>) attributes {dimension_semantics = [#tpu.dimension_semantics<parallel>], iteration_bounds = array<i64: 8>, scalar_prefetch = 0 : i64, scratch_operands = 0 : i64, tpu.core_type = #tpu.core_type<tc>, window_params = [{transform_indices = @transform_0, window_bounds = array<i64: 8>}, {transform_indices = @transform_1, window_bounds = array<i64: 1, 2048, 8, 128>}, {pipeline_mode = #tpu.pipeline_mode<synchronous>, transform_indices = @transform_2, window_bounds = array<i64: 8, 1, 8, 128>}, {transform_indices = @transform_3, window_bounds = array<i64: 1, 2048, 8, 128>}]} {
    %get3A = arith.constant 0 : index
    %get3A_0 = arith.constant 0 : index
    %get3A_1 = arith.constant 0 : index
    %get3A_2 = arith.constant 0 : index
    %get3A_3 = vector.load %arg2[%get3A, %get3A_0, %get3A_1, %get3A_2] : memref<1x2048x8x128xf32, #tpu.memory_space<vmem>>, vector<1x2048x8x128xf32>
    %swap3A = arith.constant 0 : index
    %swap3A_4 = arith.constant 0 : index
    %swap3A_5 = arith.constant 0 : index
    %swap3A_6 = arith.constant 0 : index
    %swap3A_7 = vector.load %arg4[%swap3A, %swap3A_4, %swap3A_5, %swap3A_6] : memref<1x2048x8x128xf32, #tpu.memory_space<vmem>>, vector<1x2048x8x128xf32>
    tpu.vector_store %arg4[%swap3A, %swap3A_4, %swap3A_5, %swap3A_6], %get3A_3 {strides = array<i32>} : memref<1x2048x8x128xf32, #tpu.memory_space<vmem>>, vector<1x2048x8x128xf32>,
    %get3A_8 = arith.index_cast %arg0 : i32 to index
    %get3A_9 = memref.load %arg1[%get3A_8] : memref<8xi32, #tpu.memory_space<smem>>
    %get3A_10 = arith.index_cast %arg0 : i32 to index
    %get3A_11 = arith.constant 0 : index
    %get3A_12 = arith.constant 0 : index
    %get3A_13 = arith.constant 0 : index
    %get3A_14 = vector.load %arg3[%get3A_10, %get3A_11, %get3A_12, %get3A_13] : memref<8x1x8x128xf32, #tpu.memory_space<vmem>>, vector<1x1x8x128xf32>
    %get3A_15 = vector.shape_cast %get3A_14 : vector<1x1x8x128xf32> to vector<1x8x128xf32>
    %swap3A_16 = arith.constant 0 : index
    %swap3A_17 = arith.index_cast %get3A_9 : i32 to index
    %swap3A_18 = arith.constant 0 : index
    %swap3A_19 = arith.constant 0 : index
    %swap3A_20 = vector.load %arg4[%swap3A_16, %swap3A_17, %swap3A_18, %swap3A_19] : memref<1x2048x8x128xf32, #tpu.memory_space<vmem>>, vector<1x1x8x128xf32>
    %swap3A_21 = vector.shape_cast %swap3A_20 : vector<1x1x8x128xf32> to vector<1x8x128xf32>
    %swap3A_22 = vector.shape_cast %get3A_15 : vector<1x8x128xf32> to vector<1x1x8x128xf32>
    tpu.vector_store %arg4[%swap3A_16, %swap3A_17, %swap3A_18, %swap3A_19], %swap3A_22 {strides = array<i32>} : memref<1x2048x8x128xf32, #tpu.memory_space<vmem>>, vector<1x1x8x128xf32>,
    return
  }
  func.func @transform_0(%arg0: i32) -> i32 {
    %c0_i32 = arith.constant 0 : i32
    %c0_i32_0 = arith.constant 0 : i32
    return %c0_i32 : i32
  }
  func.func @transform_1(%arg0: i32) -> (i32, i32, i32, i32) {
    %c0_i32 = arith.constant 0 : i32
    %c0_i32_0 = arith.constant 0 : i32
    %c0_i32_1 = arith.constant 0 : i32
    %c0_i32_2 = arith.constant 0 : i32
    return %arg0, %c0_i32, %c0_i32_0, %c0_i32_1 : i32, i32, i32, i32
  }
  func.func @transform_2(%arg0: i32) -> (i32, i32, i32, i32) {
    %c0_i32 = arith.constant 0 : i32
    %c0_i32_0 = arith.constant 0 : i32
    %c0_i32_1 = arith.constant 0 : i32
    %c0_i32_2 = arith.constant 0 : i32
    %c0_i32_3 = arith.constant 0 : i32
    return %c0_i32, %c0_i32_0, %c0_i32_1, %c0_i32_2 : i32, i32, i32, i32
  }
  func.func @transform_3(%arg0: i32) -> (i32, i32, i32, i32) {
    %c0_i32 = arith.constant 0 : i32
    %c0_i32_0 = arith.constant 0 : i32
    %c0_i32_1 = arith.constant 0 : i32
    %c0_i32_2 = arith.constant 0 : i32
    return %arg0, %c0_i32, %c0_i32_0, %c0_i32_1 : i32, i32, i32, i32
  }
}

</mosaic_0001>

<sc_bundles>
// kernel: kernel.4.cloned.1.call-start
scs
__scs_entry_jumppad:
0x0: {  	(pc) =	sbr.rel $0x88, $3  }
0x1: {  	(tag) =	ssettag $0x0;
	lr =	simm.s32 $0x1  }
0x2: {  	[smem:$0x3F9C] =	sst lr;
	_ =	strace $0xD0000000  }
0x3: {  	_ = 	snop  }
0x4: {  	_ = 	snop  }
0x5: {  	_ = 	snop  }
0x6: {  	_ = 	snop  }
0x7: {  	_ = 	snop  }
__scs_overlays_trampoline_lowered:
0x8: {  	[smem:$0x3FAB] =	sst s0  }
0x9: {  	[smem:$0x3FAC] =	sst s1  }
0xa: {  	[smem:$0x3FAD] =	sst s2  }
0xb: {  	[smem:$0x3FAE] =	sst s3  }
0xc: {  	[smem:$0x3FAF] =	sst s4  }
0xd: {  	[smem:$0x3FB0] =	sst s5  }
0xe: {  	[smem:$0x3FB1] =	sst s6  }
0xf: {  	[smem:$0x3FB2] =	sst s7  }
0x10: {  	[smem:$0x3FB3] =	sst s8  }
0x11: {  	[smem:$0x3FB4] =	sst s9;
	s0 =	simm.s32 @!p0 $0x0  }
0x12: {  	s1 =	sld [smem:$0x3F9A];
	s0 =	simm.s32 @p0 $0x1  }
0x13: {  	[smem:$0x3FB5] =	sst s0;
	s0 =	simm.s32 @!p1 $0x0  }
0x14: {  	s2 =	sld [smem:$0x3F99];
	s0 =	simm.s32 @p1 $0x1  }
0x15: {  	[smem:$0x3FB6] =	sst s0;
	s0 =	simm.s32 @!p2 $0x0  }
0x16: {  	s3 =	sld [smem:$0x3FDB];
	s0 =	simm.s32 @p2 $0x1  }
0x17: {  	s4 =	simm.s32 $0x1BF5;
	[smem:$0x3FB8] =	sst s0  }
0x18: {  	s0 =	sld [smem:$0x3F9B];
	_ =	swait.ge [sflag:s4], $0x0  }
0x19: {  	s7 =	sld [smem:$0x3F9C]  }
0x1a: {  	s8 =	sadd.s32 $0xFFFFE003, lr  }
0x1b: {  	s9 =	sadd.s32 $0xFFFFFEF7, lr;
	s5 =	simm.s32 $0xFFFFFFFF;
	p2 =	slt.u32 s8, $0xFFFFF086  }
0x1c: {  	p1 =	slt.u32 s9, $0xF7A;
	s5 =	simm.s32 @!p2 $0x0  }
0x1d: {  	s5 =	simm.s32 @p1 $0x1;
	p0 =	seq.s32 s7, s2  }
0x1e: {  	s7 =	smul.u32 @!p0 $0xF7A, s2;
	p2 =	seq.s32 @!p0 s5, $0x0  }
0x1f: {  	s9 =	smul.u32 $0xF7A, s1;
	s8 =	simm.s32 @!p0 $0x1BF5;
	p2 =	por !p2, p0  }
0x20: {  	[sflag:s8] =	ssyncset.s32 @!p0 $0xFFFFF086;
	s6 =	sadd.s32 @!p0 s3, s7;
	s7 =	simm.s32 @!p0 $0x108  }
0x21: {  	s3 =	sadd.s32 s3, s9;
	s6 =	sadd.s32 @!p0 $0x88, s6;
	s7 =	simm.s32 @p2 $0x1082  }
0x22: {  	[simem:s7], [sflag:s8] =	dma.local @!p0 [hbm:s6], $0xF7A  }
0x23: {  	s9 =	sor.u32 $0xD0000000, s2;
	s6 =	simm.s32 $0x108;
	_ =	swait.ge @!p0 [sflag:s8], $0x0  }
0x24: {  	s3 =	sadd.s32 $0x88, s3;
	s6 =	simm.s32 @!p1 $0x1082;
	[sflag:s4] =	ssyncset.s32 $0xFFFFF086  }
0x25: {  	[simem:s6], [sflag:s4] =	dma.local [hbm:s3], $0xF7A  }
0x26: {  	[smem:$0x3F9C] =	sst s1;
	(tag) =	ssettag s2;
	_ =	strace s9  }
0x27: {  	s1 =	sld [smem:$0x3FAC]  }
0x28: {  	s2 =	sld [smem:$0x3FAD]  }
0x29: {  	s4 =	sld [smem:$0x3FAF]  }
0x2a: {  	p0 =	seq.s32 s5, $0x0;
	s5 =	sld [smem:$0x3FB0]  }
0x2b: {  	s6 =	sld [smem:$0x3FB1]  }
0x2c: {  	s7 =	sld [smem:$0x3FB2]  }
0x2d: {  	s3 =	simm.s32 $0x108;
	s8 =	sld [smem:$0x3FB3]  }
0x2e: {  	s3 =	simm.s32 @!p0 $0x1082;
	s9 =	sld [smem:$0x3FB4]  }
0x2f: {  	lr =	sadd.s32 s0, s3;
	s0 =	sld [smem:$0x3FAB]  }
0x30: {  	s3 =	sld [smem:$0x3FAE]  }
0x31: {  	[smem:$0x3FB7] =	sst s10  }
0x32: {  	s10 =	sld [smem:$0x3FB5];
	_ =	sdelay $0x3  }
0x33: {  	p0 =	seq.s32 s10, $0x1;
	s10 =	sld [smem:$0x3FB7];
	_ =	sdelay $0x3  }
0x34: {  	[smem:$0x3FB7] =	sst s10  }
0x35: {  	s10 =	sld [smem:$0x3FB6];
	_ =	sdelay $0x3  }
0x36: {  	p1 =	seq.s32 s10, $0x1;
	s10 =	sld [smem:$0x3FB7];
	_ =	sdelay $0x3  }
0x37: {  	[smem:$0x3FB7] =	sst s10  }
0x38: {  	s10 =	sld [smem:$0x3FB8]  }
0x39: {  	_ = 	snop;
	(pc) =	sbr.ind lr, $3  }
0x3a: {  	_ = 	snop  }
0x3b: {  	_ = 	snop  }
0x3c: {  	p2 =	seq.s32 s10, $0x1;
	s10 =	sld [smem:$0x3FB7]  }
0x3d: {  	_ =	shalt  }
0x3e: {  	_ =	shalt  }
0x3f: {  	_ =	shalt  }
0x40: {  	_ =	shalt  }
0x41: {  	_ =	shalt  }
0x42: {  	_ =	shalt  }
0x43: {  	_ =	shalt  }
0x44: {  	_ =	shalt  }
0x45: {  	_ =	shalt  }
0x46: {  	_ =	shalt  }
0x47: {  	_ =	shalt  }
0x48: {  	_ =	shalt  }
0x49: {  	_ =	shalt  }
0x4a: {  	_ =	shalt  }
0x4b: {  	_ =	shalt  }
0x4c: {  	_ =	shalt  }
0x4d: {  	_ =	shalt  }
0x4e: {  	_ =	shalt  }
0x4f: {  	_ =	shalt  }
0x50: {  	_ =	shalt  }
0x51: {  	_ =	shalt  }
0x52: {  	_ =	shalt  }
0x53: {  	_ =	shalt  }
0x54: {  	_ =	shalt  }
0x55: {  	_ =	shalt  }
0x56: {  	_ =	shalt  }
0x57: {  	_ =	shalt  }
0x58: {  	_ =	shalt  }
0x59: {  	_ =	shalt  }
0x5a: {  	_ =	shalt  }
0x5b: {  	_ =	shalt  }
0x5c: {  	_ =	shalt  }
0x5d: {  	_ =	shalt  }
0x5e: {  	_ =	shalt  }
0x5f: {  	_ =	shalt  }
0x60: {  	_ =	shalt  }
0x61: {  	_ =	shalt  }
0x62: {  	_ =	shalt  }
0x63: {  	_ =	shalt  }
0x64: {  	_ =	shalt  }
0x65: {  	_ =	shalt  }
0x66: {  	_ =	shalt  }
0x67: {  	_ =	shalt  }
0x68: {  	_ =	shalt  }
0x69: {  	_ =	shalt  }
0x6a: {  	_ =	shalt  }
0x6b: {  	_ =	shalt  }
0x6c: {  	_ =	shalt  }
0x6d: {  	_ =	shalt  }
0x6e: {  	_ =	shalt  }
0x6f: {  	_ =	shalt  }
0x70: {  	_ =	shalt  }
0x71: {  	_ =	shalt  }
0x72: {  	_ =	shalt  }
0x73: {  	_ =	shalt  }
0x74: {  	_ =	shalt  }
0x75: {  	_ =	shalt  }
0x76: {  	_ =	shalt  }
0x77: {  	_ =	shalt  }
0x78: {  	_ =	shalt  }
0x79: {  	_ =	shalt  }
0x7a: {  	_ =	shalt  }
0x7b: {  	_ =	shalt  }
0x7c: {  	_ =	shalt  }
0x7d: {  	_ =	shalt  }
0x7e: {  	_ =	shalt  }
0x7f: {  	_ =	shalt  }
0x80: {  	_ =	shalt  }
0x81: {  	_ =	shalt  }
0x82: {  	_ =	shalt  }
0x83: {  	_ =	shalt  }
0x84: {  	_ =	shalt  }
0x85: {  	_ =	shalt  }
0x86: {  	_ =	shalt  }
0x87: {  	_ =	shalt  }
.Lfunc_end0:
.L_simem_size_0:
called_computation.2_lowered:
.L_overlay_start_0:
0x88: {  	s2 =	sld [smem:$0x3FD9]  }
0x89: {  	s3 =	sld [smem:$0x3FFE];
	_ =	sdelay $0x1  }
0x8a: {  	s1 =	srdreg.scid  }
0x8b: {  	s0 =	sand.u32 $0x1, s1  }
0x8c: {  	s14 =	sshll.u32 s0, $0xA;
	s2 =	sadd.s32 s3, s2  }
0x8d: {  	s2 =	sadd.s32 s2, s14  }
0x8e: {  	[smem:$0x3FC3] =	sst s2  }
0x8f: {  	_ = 	snop  }
0x90: {  	s2 =	sld [smem:$0x3FD0];
	_ =	sdelay $0x2  }
0x91: {  	s15 =	simm.s32 $0xA;
	s4 =	simm.s32 $0x10  }
0x92: {  	[smem:s4], [sflag:s15] =	dma.local [hbm:s2], $0x1  }
0x93: {  	_ =	swait.eq [sflag:s15], $0x1  }
0x94: {  	[sflag:s15] =	ssyncset.done $0x0  }
0x95: {  	s16 =	sld [smem:$0x10];
	[sflag:s15] =	ssyncadd.s32 $0xFFFFFFFF  }
0x96: {  	s17 =	sld [smem:$0x11];
	(tm) =	ssettm $0x1  }
0x97: {  	s18 =	sld [smem:$0x3FFB];
	_ =	sdelay $0x3  }
0x98: {  	_ =	strace s18  }
0x99: {  	s4 =	sld [smem:$0x3FFC];
	_ =	sdelay $0x3  }
0x9a: {  	_ =	strace s4  }
0x9b: {  	s4 =	sld [smem:$0x3FFD];
	_ =	sdelay $0x3  }
0x9c: {  	_ =	strace s4  }
0x9d: {  	_ =	strace $0x8FFFFFFF  }
0x9e: {  	s19 =	sld [smem:$0x3FDB];
	_ =	sdelay $0x1  }
0x9f: {  	s5 =	simm.s32 $_scs_section_size  }
0xa0: {  	s6 =	simm.s32 $_size__tile_overlayer_lowered;
	s7 =	simm.s32 $_tile_overlayer_lowered  }
0xa1: {  	s22 =	simm.s32 $0x1BFF;
	s21 =	sshll.u32 s7, $0x1;
	s4 =	sadd.s32 s5, s19  }
0xa2: {  	s8 =	simm.s32 $0x0;
	s20 =	sshll.u32 s6, $0x1;
	s6 =	sadd.s32 s21, s4  }
0xa3: {  	[timem:s8], [sflag:s22] =	dma.local [hbm:s6], s20  }
0xa4: {  	_ =	swait.ge [sflag:s22], s20  }
0xa5: {  	s5 =	ssub.s32 $0x0, s20;
	[sflag:s22] =	ssyncset.done $0x0  }
0xa6: {  	[sflag:s22] =	ssyncadd.s32 s5;
	_ =	sdelay $0x1  }
0xa7: {  	s23 =	simm.s32 $0x1B8B  }
0xa8: {  	_ =	swait.ge [sflag:s23], $0x1  }
0xa9: {  	[sflag:s23] =	ssyncset.done $0x0  }
0xaa: {  	s25 =	simm.s32 $0x1B8E;
	s24 =	sld [smem:$0x3FFE];
	[sflag:s23] =	ssyncadd.s32 $0xFFFFFFFF  }
0xab: {  	s26 =	simm.s32 $execute0_lowered;
	[smem:$0x3FD2] =	sst s25  }
0xac: {  	s6 =	sshll.u32 s26, $0x1;
	_ =	strace $0x80000049;
	[dreg:$0x1] =	wrdreg $0xFFFFFFFF  }
0xad: {  	s28 =	simm.s32 $_size_execute0_lowered;
	s4 =	sadd.s32 s4, s6;
	[dreg:$0x0] =	wrdreg $0x0  }
0xae: {  	s6 =	sshll.u32 s28, $0x1;
	[dreg:$0x2] =	wrdreg s4  }
0xaf: {  	[dreg:$0x3] =	wrdreg s6  }
0xb0: {  	[dreg:$0x4] =	wrdreg $0xC0  }
0xb1: {  	_ =	task [dreg:s8], $0x5FFFF  }
0xb2: {  	[dreg:$0x1] =	wrdreg $0xFFFFFFFF  }
0xb3: {  	[dreg:$0x0] =	wrdreg $0x60  }
0xb4: {  	[dreg:$0x2] =	wrdreg s17  }
0xb5: {  	[dreg:$0x3] =	wrdreg s16  }
0xb6: {  	[dreg:$0x4] =	wrdreg s24  }
0xb7: {  	[dreg:$0x5] =	wrdreg $0x0  }
0xb8: {  	[dreg:$0x6] =	wrdreg $0x9  }
0xb9: {  	_ =	task.clear_ibuf [dreg:s8], $0x7FFFF;
	_ =	strace $0x90000049  }
0xba: {  	s29 =	simm.s32 $0x9;
	_ =	strace $0x8000004B  }
0xbb: {  	_ =	swait.ge [sflag:s29], $0x1  }
0xbc: {  	[sflag:s29] =	ssyncadd.s32 $0xFFFFFFFF  }
0xbd: {  	_ =	strace $0x9000004B  }
0xbe: {  	_ =	sfence  }
0xbf: {  	s30 =	sld [smem:$0x0];
	_ =	sdelay $0x2  }
0xc0: {  	s31 =	sshll.u32 s1, $0xD;
	s1 =	sshrl.u32 s1, $0x2  }
0xc1: {  	s3 =	sand.u32 $0x4000, s31;
	s1 =	sadd.s32 s1, s30  }
0xc2: {  	s0 =	sor.u32 s3, s0;
	s1 =	sshll.u32 s1, $0x11  }
0xc3: {  	s0 =	sor.u32 s1, s0  }
0xc4: {  	s0 =	sadd.s32 $0x8F2B, s0  }
0xc5: {  	[sflag:s0] =	ssyncadd.remote.s32 $0x1  }
0xc6: {  	_ =	sfence.sel $0xFFFF  }
0xc7: {  	[dreg:$0x0] =	wrdreg $0xFFFFFFFF;
	(pc) =	sbr.abs _section_cstart, $3  }
0xc8: {  	[dreg:$0x1] =	wrdreg $0xFFFFFFFF  }
0xc9: {  	_ =	task.clear_ibuf [dreg:s8], $0x2FFFF;
	_ =	strace $0x9FFFFFFF  }
0xca: {  	(tm) =	ssettm $0x7FFFFFFF  }
0xcb: {  	_ =	shalt  }
tec
execute0_lowered:
.L_overlay_start_1:
0x0: {  	(tag) =	ssettag $0x1  }
0x1: {  	s5 =	rddreg [dreg:$0x0]  }
0x2: {  	s0 =	rddreg [dreg:$0x1]  }
0x3: {  	s2 =	rddreg [dreg:$0x2]  }
0x4: {  	s6 =	rddreg [dreg:$0x3];
	s3 =	srdreg.scid  }
0x5: {  	s1 =	stileid.u32;
	[dreg:$0x5] =	wrdreg s0;
	s15 =	sand.u32 $0x1, s3  }
0x6: {  	s0 =	rddreg [dreg:$0x4];
	s4 =	sshll.u32 s1, $0xA;
	s7 =	sshll.u32 s15, $0x9  }
0x7: {  	s3 =	simm.s32 $0x0;
	s26 =	sadd.s32 $0x1000, s2;
	s4 =	sor.u32 s7, s4  }
0x8: {  	s2 =	sadd.s32 $0x1200, s2;
	[smem:$0x7FF] =	sst s3;
	s8 =	sshll.u32 s4, $0x7  }
0x9: {  	_ =	strace $0x8000004A;
	[dreg:$0x6] =	wrdreg s26;
	s28 =	sadd.s32 s5, s8  }
0xa: {  	s9 =	sor.u32 $0x1C00, s8;
	s30 =	sadd.s32 s2, s8;
	[dreg:$0x7] =	wrdreg s28  }
0xb: {  	s10 =	sor.u32 $0x3800, s8;
	s29 =	sadd.s32 s5, s9;
	[dreg:$0x9] =	wrdreg s30  }
0xc: {  	s31 =	sadd.s32 s5, s10;
	[dreg:$0x8] =	wrdreg s29  }
0xd: {  	s12 =	sor.u32 $0x5400, s8;
	s11 =	sadd.s32 s2, s9;
	[dreg:$0xa] =	wrdreg s31  }
0xe: {  	s13 =	sadd.s32 s5, s12;
	[dreg:$0xb] =	wrdreg s11  }
0xf: {  	s16 =	sor.u32 $0x7000, s8;
	s14 =	sadd.s32 s2, s10;
	[dreg:$0xc] =	wrdreg s13  }
0x10: {  	s17 =	sadd.s32 s5, s16;
	[dreg:$0xd] =	wrdreg s14  }
0x11: {  	s19 =	sor.u32 $0x8C00, s8;
	s18 =	sadd.s32 s2, s12;
	[dreg:$0xe] =	wrdreg s17  }
0x12: {  	s20 =	sadd.s32 s5, s19;
	[dreg:$0xf] =	wrdreg s18  }
0x13: {  	s22 =	sor.u32 $0xA800, s8;
	s21 =	sadd.s32 s2, s16;
	[dreg:$0x10] =	wrdreg s20  }
0x14: {  	s23 =	sadd.s32 s5, s22;
	[dreg:$0x11] =	wrdreg s21  }
0x15: {  	s25 =	sor.u32 $0xC400, s8;
	s24 =	sadd.s32 s2, s19;
	[dreg:$0x12] =	wrdreg s23  }
0x16: {  	s26 =	sadd.s32 s5, s25;
	[dreg:$0x13] =	wrdreg s24  }
0x17: {  	s28 =	sadd.s32 s2, s22;
	[dreg:$0x14] =	wrdreg s26  }
0x18: {  	s19 =	simm.s32 $0x1C000;
	[dreg:$0x15] =	wrdreg s28  }
0x19: {  	[smem:$0x7FB] =	sst s19  }
0x1a: {  	s31 =	sadd.s32 s2, s25;
	s20 =	rddreg [dreg:$0x6]  }
0x1b: {  	s29 =	sor.u32 $0xE000, s8;
	s11 =	smul.u32 $0x70000, s1;
	[dreg:$0x17] =	wrdreg s31  }
0x1c: {  	s8 =	sor.u32 $0xFC00, s8;
	s30 =	sadd.s32 s5, s29;
	s22 =	sld [smem:$0x7FB]  }
0x1d: {  	s5 =	sadd.s32 s5, s8;
	[dreg:$0x16] =	wrdreg s30  }
0x1e: {  	s12 =	sadd.s32 s2, s8;
	s9 =	sshrl.u32 s11, $0x2;
	[dreg:$0x18] =	wrdreg s5  }
0x1f: {  	s11 =	sadd.s32 s2, s29;
	[dreg:$0x1a] =	wrdreg s12;
	s5 =	sadd.s32 s9, s6  }
0x20: {  	[dreg:$0x19] =	wrdreg s11;
	s13 =	sadd.s32 $0x80, s5  }
0x21: {  	[tilespmem:s22], [sflag:$0x3] =	stream.linear.gather [hbm4b:s20+s3], $0x80, $0x38;
	[tilespmem:$0x1C080] =	vst v63  }
0x22: {  	s14 =	sadd.s32 $0x100, s5;
	[dreg:$0x1b] =	wrdreg s13  }
0x23: {  	s16 =	sadd.s32 $0x180, s5;
	[dreg:$0x1c] =	wrdreg s14  }
0x24: {  	s17 =	sadd.s32 $0x200, s5;
	[dreg:$0x1d] =	wrdreg s16  }
0x25: {  	s18 =	sadd.s32 $0x280, s5;
	[dreg:$0x1e] =	wrdreg s17  }
0x26: {  	s21 =	sadd.s32 $0x300, s5;
	[dreg:$0x1f] =	wrdreg s18  }
0x27: {  	s23 =	sadd.s32 $0x380, s5;
	[smem:$0x7FD] =	sst s21  }
0x28: {  	s6 =	simm.s32 $0x3;
	[smem:$0x7FC] =	sst s23  }
0x29: {  	s8 =	sshrl.u32 s5, $0x3;
	_ =	swait.ge [sflag:s6], $0x80  }
0x2a: {  	s26 =	sadd.s32 $0xE000, s5;
	s13 =	sshll.u32 s1, $0x6;
	[sflag:s6] =	ssyncset.done $0x0  }
0x2b: {  	s7 =	sor.u32 $0x1C01, s13;
	s24 =	rddreg [dreg:$0x7];
	[sflag:s6] =	ssyncadd.s32 $0xFFFFFF80  }
0x2c: {  	[spmem:s8], [sflag:s7] =	dma.local [hbm:s24], $0x1C00  }
0x2d: {  	s10 =	simm.s32 $0x1;
	s9 =	sshrl.u32 s26, $0x3;
	s25 =	rddreg [dreg:$0x8]  }
0x2e: {  	[spmem:s9], [sflag:s7] =	dma.local [hbm:s25], $0x1C00  }
0x2f: {  	_ =	swait.ge [sflag:s10], $0x1C00  }
0x30: {  	s11 =	simm.s32 $0x2;
	[sflag:s10] =	ssyncset.done $0x0  }
0x31: {  	s12 =	sor.u32 $0x1C02, s13;
	s14 =	rddreg [dreg:$0x9];
	[sflag:s10] =	ssyncadd.s32 $0xFFFFE400  }
0x32: {  	[hbm:s14], [sflag:s12] =	dma.local [spmem:s8], $0x1C00  }
0x33: {  	_ =	swait.ge [sflag:s11], $0x1C00  }
0x34: {  	[sflag:s11] =	ssyncset.done $0x0  }
0x35: {  	s28 =	rddreg [dreg:$0xa];
	[sflag:s11] =	ssyncadd.s32 $0xFFFFE400  }
0x36: {  	[spmem:s8], [sflag:s7] =	dma.local [hbm:s28], $0x1C00  }
0x37: {  	_ =	swait.ge [sflag:s10], $0x1C00  }
0x38: {  	[sflag:s10] =	ssyncset.done $0x0  }
0x39: {  	s29 =	rddreg [dreg:$0xb];
	[sflag:s10] =	ssyncadd.s32 $0xFFFFE400  }
0x3a: {  	[hbm:s29], [sflag:s12] =	dma.local [spmem:s9], $0x1C00  }
0x3b: {  	_ =	swait.ge [sflag:s11], $0x1C00  }
0x3c: {  	[sflag:s11] =	ssyncset.done $0x0  }
0x3d: {  	s30 =	rddreg [dreg:$0xc];
	[sflag:s11] =	ssyncadd.s32 $0xFFFFE400  }
0x3e: {  	[spmem:s9], [sflag:s7] =	dma.local [hbm:s30], $0x1C00  }
0x3f: {  	_ =	swait.ge [sflag:s10], $0x1C00  }
0x40: {  	[sflag:s10] =	ssyncset.done $0x0  }
0x41: {  	s31 =	rddreg [dreg:$0xd];
	[sflag:s10] =	ssyncadd.s32 $0xFFFFE400  }
0x42: {  	[hbm:s31], [sflag:s12] =	dma.local [spmem:s8], $0x1C00  }
0x43: {  	_ =	swait.ge [sflag:s11], $0x1C00  }
0x44: {  	[sflag:s11] =	ssyncset.done $0x0  }
0x45: {  	s16 =	rddreg [dreg:$0xe];
	[sflag:s11] =	ssyncadd.s32 $0xFFFFE400  }
0x46: {  	[spmem:s8], [sflag:s7] =	dma.local [hbm:s16], $0x1C00  }
0x47: {  	_ =	swait.ge [sflag:s10], $0x1C00  }
0x48: {  	[sflag:s10] =	ssyncset.done $0x0  }
0x49: {  	s17 =	rddreg [dreg:$0xf];
	[sflag:s10] =	ssyncadd.s32 $0xFFFFE400  }
0x4a: {  	[hbm:s17], [sflag:s12] =	dma.local [spmem:s9], $0x1C00  }
0x4b: {  	_ =	swait.ge [sflag:s11], $0x1C00  }
0x4c: {  	[sflag:s11] =	ssyncset.done $0x0  }
0x4d: {  	s18 =	rddreg [dreg:$0x10];
	[sflag:s11] =	ssyncadd.s32 $0xFFFFE400  }
0x4e: {  	[spmem:s9], [sflag:s7] =	dma.local [hbm:s18], $0x1C00  }
0x4f: {  	_ =	swait.ge [sflag:s10], $0x1C00  }
0x50: {  	[sflag:s10] =	ssyncset.done $0x0  }
0x51: {  	s19 =	rddreg [dreg:$0x11];
	[sflag:s10] =	ssyncadd.s32 $0xFFFFE400  }
0x52: {  	[hbm:s19], [sflag:s12] =	dma.local [spmem:s8], $0x1C00  }
0x53: {  	_ =	swait.ge [sflag:s11], $0x1C00  }
0x54: {  	[sflag:s11] =	ssyncset.done $0x0  }
0x55: {  	s20 =	rddreg [dreg:$0x12];
	[sflag:s11] =	ssyncadd.s32 $0xFFFFE400  }
0x56: {  	[spmem:s8], [sflag:s7] =	dma.local [hbm:s20], $0x1C00  }
0x57: {  	_ =	swait.ge [sflag:s10], $0x1C00  }
0x58: {  	[sflag:s10] =	ssyncset.done $0x0  }
0x59: {  	s21 =	rddreg [dreg:$0x13];
	[sflag:s10] =	ssyncadd.s32 $0xFFFFE400  }
0x5a: {  	[hbm:s21], [sflag:s12] =	dma.local [spmem:s9], $0x1C00  }
0x5b: {  	_ =	swait.ge [sflag:s11], $0x1C00  }
0x5c: {  	[sflag:s11] =	ssyncset.done $0x0  }
0x5d: {  	s22 =	rddreg [dreg:$0x14];
	[sflag:s11] =	ssyncadd.s32 $0xFFFFE400  }
0x5e: {  	[spmem:s9], [sflag:s7] =	dma.local [hbm:s22], $0x1C00  }
0x5f: {  	_ =	swait.ge [sflag:s10], $0x1C00  }
0x60: {  	[sflag:s10] =	ssyncset.done $0x0  }
0x61: {  	s23 =	rddreg [dreg:$0x15];
	[sflag:s10] =	ssyncadd.s32 $0xFFFFE400  }
0x62: {  	[hbm:s23], [sflag:s12] =	dma.local [spmem:s8], $0x1C00  }
0x63: {  	_ =	swait.ge [sflag:s11], $0x1C00  }
0x64: {  	[sflag:s11] =	ssyncset.done $0x0  }
0x65: {  	s24 =	rddreg [dreg:$0x16];
	[sflag:s11] =	ssyncadd.s32 $0xFFFFE400  }
0x66: {  	[spmem:s8], [sflag:s7] =	dma.local [hbm:s24], $0x1C00  }
0x67: {  	_ =	swait.ge [sflag:s10], $0x1C00  }
0x68: {  	[sflag:s10] =	ssyncset.done $0x0  }
0x69: {  	s25 =	rddreg [dreg:$0x17];
	[sflag:s10] =	ssyncadd.s32 $0xFFFFE400  }
0x6a: {  	[hbm:s25], [sflag:s12] =	dma.local [spmem:s9], $0x1C00  }
0x6b: {  	_ =	swait.ge [sflag:s11], $0x1C00  }
0x6c: {  	[sflag:s11] =	ssyncset.done $0x0  }
0x6d: {  	s26 =	rddreg [dreg:$0x18];
	[sflag:s11] =	ssyncadd.s32 $0xFFFFE400  }
0x6e: {  	[spmem:s9], [sflag:s7] =	dma.local [hbm:s26], $0x400  }
0x6f: {  	_ =	swait.ge [sflag:s10], $0x1C00  }
0x70: {  	[sflag:s10] =	ssyncset.done $0x0  }
0x71: {  	s28 =	rddreg [dreg:$0x19];
	[sflag:s10] =	ssyncadd.s32 $0xFFFFE400  }
0x72: {  	[hbm:s28], [sflag:s12] =	dma.local [spmem:s8], $0x1C00  }
0x73: {  	_ =	swait.ge [sflag:s10], $0x400  }
0x74: {  	[sflag:s10] =	ssyncset.done $0x0  }
0x75: {  	s29 =	rddreg [dreg:$0x1a];
	[sflag:s10] =	ssyncadd.s32 $0xFFFFFC00  }
0x76: {  	[hbm:s29], [sflag:s12] =	dma.local [spmem:s9], $0x400  }
0x77: {  	_ =	swait.ge [sflag:s11], $0x1C00  }
0x78: {  	[sflag:s11] =	ssyncset.done $0x0  }
0x79: {  	[sflag:s11] =	ssyncadd.s32 $0xFFFFE400  }
0x7a: {  	_ =	swait.ge [sflag:s11], $0x400  }
0x7b: {  	[sflag:s11] =	ssyncset.done $0x0  }
0x7c: {  	s13 =	sor.u32 $0x1C03, s13;
	s30 =	rddreg [dreg:$0x5];
	[sflag:s11] =	ssyncadd.s32 $0xFFFFFC00  }
0x7d: {  	[spmem:s8], [sflag:s13] =	dma.local [hbm:s30], $0x400  }
0x7e: {  	_ =	swait.ge [sflag:s6], $0x400  }
0x7f: {  	[sflag:s6] =	ssyncset.done $0x0  }
0x80: {  	[sflag:s6] =	ssyncadd.s32 $0xFFFFFC00  }
0x81: {  	v0 =	vld [tilespmem:$0x1C000];
	_ =	sdelay $0x3  }
0x82: {  	vm0 =	vmmov $0x1  }
0x83: {  	v1 =	vnsel vm0, $0xFFFFFFFF, v0  }
0x84: {  	v1 =	vxor.u32 $0x80000000, v1  }
0x85: {  	vm1 =	vcmask $0x308;
	(xrf0) =	vmax.scan.msk.u32 $0xffff, v1  }
0x86: {  	vm2 =	vcmask $0x70C;
	v2 =	vsel vm1, $0xFFFFFFFF, v0  }
0x87: {  	vm3 =	vcmask $0xB10;
	v51 =	vsel vm2, $0xFFFFFFFF, v0;
	v2 =	vxor.u32 $0x80000000, v2  }
0x88: {  	vm4 =	vcmask $0xF14;
	v3 =	vsel vm3, $0xFFFFFFFF, v0;
	v1 =	vxor.u32 $0x80000000, v51;
	(xrf0) =	vmax.scan.msk.u32 $0xffff, v2  }
0x89: {  	vm5 =	vcmask $0x1318;
	v52 =	vsel vm4, $0xFFFFFFFF, v0;
	v3 =	vxor.u32 $0x80000000, v3;
	(xrf0) =	vmax.scan.msk.u32 $0xffff, v1  }
0x8a: {  	vm6 =	vcmask $0x171C;
	v53 =	vsel vm5, $0xFFFFFFFF, v0;
	v2 =	vxor.u32 $0x80000000, v52;
	(xrf0) =	vmax.scan.msk.u32 $0xffff, v3  }
0x8b: {  	vm7 =	vcmask $0x1B20;
	v54 =	vsel vm6, $0xFFFFFFFF, v0;
	v1 =	vxor.u32 $0x80000000, v53;
	(xrf0) =	vmax.scan.msk.u32 $0xffff, v2;
	v56, _, _ =	vpop (xrf0)  }
0x8c: {  	v0 =	vsel vm7, $0xFFFFFFFF, v0;
	v55 =	vxor.u32 $0x80000000, v54;
	(xrf0) =	vmax.scan.msk.u32 $0xffff, v1;
	(v2sf) =	vpush v56, $0xF  }
0x8d: {  	v0 =	vxor.u32 $0x80000000, v0;
	(xrf0) =	vmax.scan.msk.u32 $0xffff, v55  }
0x8e: {  	v57, _, _ =	vpop (xrf0);
	(xrf0) =	vmax.scan.msk.u32 $0xffff, v0  }
0x8f: {  	v58, _, _ =	vpop (xrf0)  }
0x90: {  	v59, _, _ =	vpop (xrf0)  }
0x91: {  	(v2sf) =	vpush v57, $0xF;
	v60, _, _ =	vpop (xrf0)  }
0x92: {  	(v2sf) =	vpush v58, $0xF;
	v61, _, _ =	vpop (xrf0)  }
0x93: {  	(v2sf) =	vpush v59, $0xF;
	v62, _, _ =	vpop (xrf0)  }
0x94: {  	v63, _, _ =	vpop (xrf0)  }
0x95: {  	(v2sf) =	vpush v63, $0xF;
	_ =	sdelay $0x5  }
0x96: {  	s16 =	spop (v2sf)  }
0x97: {  	s17 =	sxor.u32 $0x80000000, s16  }
0x98: {  	s14 =	sadd.s32 $0x200, s4;
	p0 =	slt.s32 s17, s4  }
0x99: {  	p1 =	sge.s32 @!p0 s17, s14  }
0x9a: {  	(v2sf) =	vpush v60, $0xF;
	p1 =	por p1, p0  }
0x9b: {  	s17 =	spop (v2sf);
	s18 =	sshll.u32 @!p1 s16, $0xA;
	s16 =	sshll.u32 @!p1 s16, $0x7  }
0x9c: {  	s19 =	spop (v2sf);
	s18 =	sand.u32 @!p1 $0xFFFFE000, s18;
	s16 =	sand.u32 @!p1 $0x380, s16  }
0x9d: {  	s20 =	spop (v2sf);
	s18 =	sor.u32 @!p1 s16, s18  }
0x9e: {  	s21 =	simm.s32 @!p1 $0x80;
	s22 =	sshrl.u32 @!p1 s5, $0x3;
	s18 =	sshrl.u32 @!p1 s18, $0x3  }
0x9f: {  	s23 =	simm.s32 @!p1 $0x1;
	s16 =	spop (v2sf);
	s18 =	sadd.s32 @!p1 s2, s18  }
0xa0: {  	[hbm:s18@s21], [sflag:s13] =	dma.strided @!p1 [spmem:s22@s21], $0x80, s23, $0x10   }
0xa1: {  	s18 =	sadd.s32 $0x80000800, s17  }
0xa2: {  	p0 =	slt.s32 s18, s4  }
0xa3: {  	p2 =	sge.s32 @!p0 s18, s14  }
0xa4: {  	s21 =	simm.s32 @!p1 $0x3;
	p0 =	por p2, p0  }
0xa5: {  	_ =	swait.ge @!p1 [sflag:s21], $0x80;
	s18 =	sshll.u32 @!p0 s18, $0xA;
	s17 =	sshll.u32 @!p0 s17, $0x7  }
0xa6: {  	[sflag:s21] =	ssyncset.done @!p1 $0x0;
	s18 =	sand.u32 @!p0 $0x7FFFE000, s18;
	s17 =	sand.u32 @!p0 $0x380, s17  }
0xa7: {  	s22 =	rddreg [dreg:$0x1b];
	[sflag:s21] =	ssyncadd.s32 @!p1 $0xFFFFFF80;
	s17 =	sor.u32 @!p0 s17, s18  }
0xa8: {  	s23 =	simm.s32 @!p0 $0x1;
	s22 =	sshrl.u32 @!p0 s22, $0x3;
	s17 =	sshrl.u32 @!p0 s17, $0x3  }
0xa9: {  	(v2sf) =	vpush v61, $0xF;
	s21 =	spop (v2sf);
	s18 =	simm.s32 @!p0 $0x80;
	s17 =	sadd.s32 @!p0 s2, s17  }
0xaa: {  	[hbm:s17@s18], [sflag:s13] =	dma.strided @!p0 [spmem:s22@s18], $0x80, s23, $0x10   }
0xab: {  	s17 =	sadd.s32 $0x80001000, s19  }
0xac: {  	p1 =	slt.s32 s17, s4  }
0xad: {  	p2 =	sge.s32 @!p1 s17, s14  }
0xae: {  	s18 =	simm.s32 @!p0 $0x3;
	p1 =	por p2, p1  }
0xaf: {  	_ =	swait.ge @!p0 [sflag:s18], $0x80;
	s17 =	sshll.u32 @!p1 s17, $0xA;
	s19 =	sshll.u32 @!p1 s19, $0x7  }
0xb0: {  	[sflag:s18] =	ssyncset.done @!p0 $0x0;
	s17 =	sand.u32 @!p1 $0x7FFFE000, s17;
	s19 =	sand.u32 @!p1 $0x380, s19  }
0xb1: {  	[sflag:s18] =	ssyncadd.s32 @!p0 $0xFFFFFF80;
	s17 =	sor.u32 @!p1 s19, s17  }
0xb2: {  	s22 =	simm.s32 @!p1 $0x1;
	s19 =	rddreg [dreg:$0x1c];
	s17 =	sshrl.u32 @!p1 s17, $0x3  }
0xb3: {  	(v2sf) =	vpush v62, $0xF;
	s18 =	simm.s32 @!p1 $0x80;
	s19 =	sshrl.u32 @!p1 s19, $0x3;
	s17 =	sadd.s32 @!p1 s2, s17  }
0xb4: {  	[hbm:s17@s18], [sflag:s13] =	dma.strided @!p1 [spmem:s19@s18], $0x80, s22, $0x10   }
0xb5: {  	s17 =	sadd.s32 $0x80001800, s20  }
0xb6: {  	p0 =	slt.s32 s17, s4  }
0xb7: {  	p2 =	sge.s32 @!p0 s17, s14  }
0xb8: {  	s19 =	simm.s32 @!p1 $0x3;
	p0 =	por p2, p0  }
0xb9: {  	_ =	swait.ge @!p1 [sflag:s19], $0x80;
	s17 =	sshll.u32 @!p0 s17, $0xA;
	s18 =	sshll.u32 @!p0 s20, $0x7  }
0xba: {  	[sflag:s19] =	ssyncset.done @!p1 $0x0;
	s17 =	sand.u32 @!p0 $0x7FFFE000, s17;
	s18 =	sand.u32 @!p0 $0x380, s18  }
0xbb: {  	[sflag:s19] =	ssyncadd.s32 @!p1 $0xFFFFFF80;
	s19 =	spop (v2sf);
	s17 =	sor.u32 @!p0 s18, s17  }
0xbc: {  	s20 =	simm.s32 @!p0 $0x1;
	s18 =	rddreg [dreg:$0x1d];
	s17 =	sshrl.u32 @!p0 s17, $0x3  }
0xbd: {  	s22 =	simm.s32 @!p0 $0x80;
	s18 =	sshrl.u32 @!p0 s18, $0x3;
	s17 =	sadd.s32 @!p0 s2, s17  }
0xbe: {  	[hbm:s17@s22], [sflag:s13] =	dma.strided @!p0 [spmem:s18@s22], $0x80, s20, $0x10   }
0xbf: {  	s17 =	sadd.s32 $0x80002000, s21  }
0xc0: {  	p1 =	slt.s32 s17, s4  }
0xc1: {  	p2 =	sge.s32 @!p1 s17, s14  }
0xc2: {  	s18 =	simm.s32 @!p0 $0x3;
	p1 =	por p2, p1  }
0xc3: {  	_ =	swait.ge @!p0 [sflag:s18], $0x80;
	s20 =	sshll.u32 @!p1 s21, $0x7;
	s17 =	sshll.u32 @!p1 s17, $0xA  }
0xc4: {  	[sflag:s18] =	ssyncset.done @!p0 $0x0;
	s17 =	sand.u32 @!p1 $0x7FFFE000, s17;
	s20 =	sand.u32 @!p1 $0x380, s20  }
0xc5: {  	[sflag:s18] =	ssyncadd.s32 @!p0 $0xFFFFFF80;
	s18 =	spop (v2sf);
	s17 =	sor.u32 @!p1 s20, s17  }
0xc6: {  	s21 =	rddreg [dreg:$0x1e];
	s22 =	simm.s32 @!p1 $0x80;
	s17 =	sshrl.u32 @!p1 s17, $0x3  }
0xc7: {  	s21 =	sshrl.u32 @!p1 s21, $0x3;
	s20 =	simm.s32 @!p1 $0x1;
	s17 =	sadd.s32 @!p1 s2, s17  }
0xc8: {  	[hbm:s17@s22], [sflag:s13] =	dma.strided @!p1 [spmem:s21@s22], $0x80, s20, $0x10   }
0xc9: {  	s17 =	sadd.s32 $0x80002800, s19  }
0xca: {  	p0 =	slt.s32 s17, s4  }
0xcb: {  	p2 =	sge.s32 @!p0 s17, s14  }
0xcc: {  	s20 =	simm.s32 @!p1 $0x3;
	p0 =	por p2, p0  }
0xcd: {  	_ =	swait.ge @!p1 [sflag:s20], $0x80;
	s17 =	sshll.u32 @!p0 s17, $0xA;
	s19 =	sshll.u32 @!p0 s19, $0x7  }
0xce: {  	[sflag:s20] =	ssyncset.done @!p1 $0x0;
	s17 =	sand.u32 @!p0 $0x7FFFE000, s17;
	s19 =	sand.u32 @!p0 $0x380, s19  }
0xcf: {  	[sflag:s20] =	ssyncadd.s32 @!p1 $0xFFFFFF80;
	s17 =	sor.u32 @!p0 s19, s17  }
0xd0: {  	s21 =	simm.s32 @!p0 $0x1;
	s19 =	rddreg [dreg:$0x1f];
	s17 =	sshrl.u32 @!p0 s17, $0x3  }
0xd1: {  	s20 =	simm.s32 @!p0 $0x80;
	s19 =	sshrl.u32 @!p0 s19, $0x3;
	s17 =	sadd.s32 @!p0 s2, s17  }
0xd2: {  	[hbm:s17@s20], [sflag:s13] =	dma.strided @!p0 [spmem:s19@s20], $0x80, s21, $0x10   }
0xd3: {  	s15 =	ssub.s32 $0x2, s15;
	s17 =	sadd.s32 $0x80003000, s18  }
0xd4: {  	s31 =	sshrl.u32 s15, $0x1;
	p1 =	slt.s32 s17, s4  }
0xd5: {  	s15 =	ssub.s32 s15, s31;
	s19 =	simm.s32 @!p0 $0x3;
	p2 =	sge.s32 @!p1 s17, s14  }
0xd6: {  	s15 =	smax.u32 s15, $0x1;
	_ =	swait.ge @!p0 [sflag:s19], $0x80;
	p2 =	por p2, p1  }
0xd7: {  	s20 =	sld [smem:$0x7FD];
	s17 =	sshll.u32 @!p2 s17, $0xA;
	s18 =	sshll.u32 @!p2 s18, $0x7  }
0xd8: {  	s15 =	sadd.s32 $0xFFFFFFFF, s15;
	s17 =	sand.u32 @!p2 $0x7FFFE000, s17;
	s18 =	sand.u32 @!p2 $0x380, s18  }
0xd9: {  	p3 =	sne.s32 s15, $0x0;
	[sflag:s19] =	ssyncset.done @!p0 $0x0;
	s17 =	sor.u32 @!p2 s18, s17  }
0xda: {  	[sflag:s19] =	ssyncadd.s32 @!p0 $0xFFFFFF80;
	s19 =	sshrl.u32 @!p2 s20, $0x3;
	s17 =	sshrl.u32 @!p2 s17, $0x3  }
0xdb: {  	s20 =	simm.s32 @!p2 $0x1;
	s18 =	simm.s32 @!p2 $0x80;
	s17 =	sadd.s32 @!p2 s2, s17  }
0xdc: {  	[hbm:s17@s18], [sflag:s13] =	dma.strided @!p2 [spmem:s19@s18], $0x80, s20, $0x10   }
.Ltmp0:
0xdd: {  	_ = 	snop;
	(pc) =	sbr.rel @!p3 .LBB2_2-.Ltmp0, $4  }
0xde: {  	s17 =	sadd.s32 $0x80003800, s16  }
0xdf: {  	p0 =	slt.s32 s17, s4  }
0xe0: {  	p1 =	sge.s32 @!p0 s17, s14  }
0xe1: {  	s18 =	simm.s32 @!p2 $0x3;
	p1 =	por p1, p0  }
.LBB2_1:
0xe2: {  	_ =	swait.ge @!p2 [sflag:s18], $0x80;
	s17 =	sshll.u32 @!p1 s17, $0xA;
	s16 =	sshll.u32 @!p1 s16, $0x7  }
0xe3: {  	s17 =	sand.u32 @!p1 $0x7FFFE000, s17;
	s19 =	sld [smem:$0x7FC];
	s16 =	sand.u32 @!p1 $0x380, s16  }
0xe4: {  	s20 =	simm.s32 @!p1 $0x3;
	[sflag:s18] =	ssyncset.done @!p2 $0x0;
	s16 =	sor.u32 @!p1 s16, s17  }
0xe5: {  	[sflag:s18] =	ssyncadd.s32 @!p2 $0xFFFFFF80;
	s17 =	simm.s32 @!p1 $0x80;
	s16 =	sshrl.u32 @!p1 s16, $0x3  }
0xe6: {  	s18 =	sshrl.u32 @!p1 s19, $0x3;
	s19 =	simm.s32 @!p1 $0x1;
	s16 =	sadd.s32 @!p1 s2, s16  }
0xe7: {  	[hbm:s16@s17], [sflag:s13] =	dma.strided @!p1 [spmem:s18@s17], $0x80, s19, $0x10   }
0xe8: {  	_ =	swait.ge @!p1 [sflag:s20], $0x80  }
0xe9: {  	s24 =	sld [smem:$0x7FB]  }
0xea: {  	[sflag:s20] =	ssyncset.done @!p1 $0x0  }
0xeb: {  	s23 =	rddreg [dreg:$0x6];
	[sflag:s20] =	ssyncadd.s32 @!p1 $0xFFFFFF80  }
0xec: {  	[tilespmem:s24], [sflag:$0x3] =	stream.linear.gather [hbm4b:s23+s3], $0x80, $0x38;
	[tilespmem:$0x1C080] =	vst v63  }
0xed: {  	_ =	swait.ge [sflag:s6], $0x80  }
0xee: {  	[sflag:s6] =	ssyncset.done $0x0  }
0xef: {  	s25 =	rddreg [dreg:$0x7];
	[sflag:s6] =	ssyncadd.s32 $0xFFFFFF80  }
0xf0: {  	[spmem:s8], [sflag:s7] =	dma.local [hbm:s25], $0x1C00  }
0xf1: {  	s16 =	rddreg [dreg:$0x8]  }
0xf2: {  	[spmem:s9], [sflag:s7] =	dma.local [hbm:s16], $0x1C00  }
0xf3: {  	_ =	swait.ge [sflag:s10], $0x1C00  }
0xf4: {  	[sflag:s10] =	ssyncset.done $0x0  }
0xf5: {  	s26 =	rddreg [dreg:$0x9];
	[sflag:s10] =	ssyncadd.s32 $0xFFFFE400  }
0xf6: {  	[hbm:s26], [sflag:s12] =	dma.local [spmem:s8], $0x1C00  }
0xf7: {  	_ =	swait.ge [sflag:s11], $0x1C00  }
0xf8: {  	[sflag:s11] =	ssyncset.done $0x0  }
0xf9: {  	s28 =	rddreg [dreg:$0xa];
	[sflag:s11] =	ssyncadd.s32 $0xFFFFE400  }
0xfa: {  	[spmem:s8], [sflag:s7] =	dma.local [hbm:s28], $0x1C00  }
0xfb: {  	_ =	swait.ge [sflag:s10], $0x1C00  }
0xfc: {  	[sflag:s10] =	ssyncset.done $0x0  }
0xfd: {  	s29 =	rddreg [dreg:$0xb];
	[sflag:s10] =	ssyncadd.s32 $0xFFFFE400  }
0xfe: {  	[hbm:s29], [sflag:s12] =	dma.local [spmem:s9], $0x1C00  }
0xff: {  	_ =	swait.ge [sflag:s11], $0x1C00  }
0x100: {  	[sflag:s11] =	ssyncset.done $0x0  }
0x101: {  	s30 =	rddreg [dreg:$0xc];
	[sflag:s11] =	ssyncadd.s32 $0xFFFFE400  }
0x102: {  	[spmem:s9], [sflag:s7] =	dma.local [hbm:s30], $0x1C00  }
0x103: {  	_ =	swait.ge [sflag:s10], $0x1C00  }
0x104: {  	[sflag:s10] =	ssyncset.done $0x0  }
0x105: {  	s31 =	rddreg [dreg:$0xd];
	[sflag:s10] =	ssyncadd.s32 $0xFFFFE400  }
0x106: {  	[hbm:s31], [sflag:s12] =	dma.local [spmem:s8], $0x1C00  }
0x107: {  	_ =	swait.ge [sflag:s11], $0x1C00  }
0x108: {  	[sflag:s11] =	ssyncset.done $0x0  }
0x109: {  	s17 =	rddreg [dreg:$0xe];
	[sflag:s11] =	ssyncadd.s32 $0xFFFFE400  }
0x10a: {  	[spmem:s8], [sflag:s7] =	dma.local [hbm:s17], $0x1C00  }
0x10b: {  	_ =	swait.ge [sflag:s10], $0x1C00  }
0x10c: {  	[sflag:s10] =	ssyncset.done $0x0  }
0x10d: {  	s18 =	rddreg [dreg:$0xf];
	[sflag:s10] =	ssyncadd.s32 $0xFFFFE400  }
0x10e: {  	[hbm:s18], [sflag:s12] =	dma.local [spmem:s9], $0x1C00  }
0x10f: {  	_ =	swait.ge [sflag:s11], $0x1C00  }
0x110: {  	[sflag:s11] =	ssyncset.done $0x0  }
0x111: {  	s19 =	rddreg [dreg:$0x10];
	[sflag:s11] =	ssyncadd.s32 $0xFFFFE400  }
0x112: {  	[spmem:s9], [sflag:s7] =	dma.local [hbm:s19], $0x1C00  }
0x113: {  	_ =	swait.ge [sflag:s10], $0x1C00  }
0x114: {  	[sflag:s10] =	ssyncset.done $0x0  }
0x115: {  	s20 =	rddreg [dreg:$0x11];
	[sflag:s10] =	ssyncadd.s32 $0xFFFFE400  }
0x116: {  	[hbm:s20], [sflag:s12] =	dma.local [spmem:s8], $0x1C00  }
0x117: {  	_ =	swait.ge [sflag:s11], $0x1C00  }
0x118: {  	[sflag:s11] =	ssyncset.done $0x0  }
0x119: {  	s21 =	rddreg [dreg:$0x12];
	[sflag:s11] =	ssyncadd.s32 $0xFFFFE400  }
0x11a: {  	[spmem:s8], [sflag:s7] =	dma.local [hbm:s21], $0x1C00  }
0x11b: {  	_ =	swait.ge [sflag:s10], $0x1C00  }
0x11c: {  	[sflag:s10] =	ssyncset.done $0x0  }
0x11d: {  	s22 =	rddreg [dreg:$0x13];
	[sflag:s10] =	ssyncadd.s32 $0xFFFFE400  }
0x11e: {  	[hbm:s22], [sflag:s12] =	dma.local [spmem:s9], $0x1C00  }
0x11f: {  	_ =	swait.ge [sflag:s11], $0x1C00  }
0x120: {  	[sflag:s11] =	ssyncset.done $0x0  }
0x121: {  	s23 =	rddreg [dreg:$0x14];
	[sflag:s11] =	ssyncadd.s32 $0xFFFFE400  }
0x122: {  	[spmem:s9], [sflag:s7] =	dma.local [hbm:s23], $0x1C00  }
0x123: {  	_ =	swait.ge [sflag:s10], $0x1C00  }
0x124: {  	[sflag:s10] =	ssyncset.done $0x0  }
0x125: {  	s24 =	rddreg [dreg:$0x15];
	[sflag:s10] =	ssyncadd.s32 $0xFFFFE400  }
0x126: {  	[hbm:s24], [sflag:s12] =	dma.local [spmem:s8], $0x1C00  }
0x127: {  	_ =	swait.ge [sflag:s11], $0x1C00  }
0x128: {  	[sflag:s11] =	ssyncset.done $0x0  }
0x129: {  	s25 =	rddreg [dreg:$0x16];
	[sflag:s11] =	ssyncadd.s32 $0xFFFFE400  }
0x12a: {  	[spmem:s8], [sflag:s7] =	dma.local [hbm:s25], $0x1C00  }
0x12b: {  	_ =	swait.ge [sflag:s10], $0x1C00  }
0x12c: {  	[sflag:s10] =	ssyncset.done $0x0  }
0x12d: {  	s26 =	rddreg [dreg:$0x17];
	[sflag:s10] =	ssyncadd.s32 $0xFFFFE400  }
0x12e: {  	[hbm:s26], [sflag:s12] =	dma.local [spmem:s9], $0x1C00  }
0x12f: {  	_ =	swait.ge [sflag:s11], $0x1C00  }
0x130: {  	[sflag:s11] =	ssyncset.done $0x0  }
0x131: {  	s28 =	rddreg [dreg:$0x18];
	[sflag:s11] =	ssyncadd.s32 $0xFFFFE400  }
0x132: {  	[spmem:s9], [sflag:s7] =	dma.local [hbm:s28], $0x400  }
0x133: {  	_ =	swait.ge [sflag:s10], $0x1C00  }
0x134: {  	[sflag:s10] =	ssyncset.done $0x0  }
0x135: {  	s29 =	rddreg [dreg:$0x19];
	[sflag:s10] =	ssyncadd.s32 $0xFFFFE400  }
0x136: {  	[hbm:s29], [sflag:s12] =	dma.local [spmem:s8], $0x1C00  }
0x137: {  	_ =	swait.ge [sflag:s10], $0x400  }
0x138: {  	[sflag:s10] =	ssyncset.done $0x0  }
0x139: {  	s30 =	rddreg [dreg:$0x1a];
	[sflag:s10] =	ssyncadd.s32 $0xFFFFFC00  }
0x13a: {  	[hbm:s30], [sflag:s12] =	dma.local [spmem:s9], $0x400  }
0x13b: {  	_ =	swait.ge [sflag:s11], $0x1C00  }
0x13c: {  	[sflag:s11] =	ssyncset.done $0x0  }
0x13d: {  	[sflag:s11] =	ssyncadd.s32 $0xFFFFE400  }
0x13e: {  	_ =	swait.ge [sflag:s11], $0x400  }
0x13f: {  	[sflag:s11] =	ssyncset.done $0x0  }
0x140: {  	s31 =	rddreg [dreg:$0x5];
	[sflag:s11] =	ssyncadd.s32 $0xFFFFFC00  }
0x141: {  	[spmem:s8], [sflag:s13] =	dma.local [hbm:s31], $0x400  }
0x142: {  	_ =	swait.ge [sflag:s6], $0x400  }
0x143: {  	[sflag:s6] =	ssyncset.done $0x0  }
0x144: {  	[sflag:s6] =	ssyncadd.s32 $0xFFFFFC00  }
0x145: {  	v0 =	vld [tilespmem:$0x1C000];
	_ =	sdelay $0x4  }
0x146: {  	v1 =	vnsel vm0, $0xFFFFFFFF, v0  }
0x147: {  	v1 =	vxor.u32 $0x80000000, v1  }
0x148: {  	v2 =	vsel vm1, $0xFFFFFFFF, v0;
	(xrf0) =	vmax.scan.msk.u32 $0xffff, v1  }
0x149: {  	v3 =	vsel vm2, $0xFFFFFFFF, v0;
	v2 =	vxor.u32 $0x80000000, v2  }
0x14a: {  	v3 =	vxor.u32 $0x80000000, v3;
	(xrf0) =	vmax.scan.msk.u32 $0xffff, v2  }
0x14b: {  	(xrf0) =	vmax.scan.msk.u32 $0xffff, v3  }
0x14c: {  	v4 =	vsel vm3, $0xFFFFFFFF, v0  }
0x14d: {  	v5 =	vsel vm4, $0xFFFFFFFF, v0;
	v52 =	vxor.u32 $0x80000000, v4  }
0x14e: {  	v6 =	vsel vm5, $0xFFFFFFFF, v0;
	v53 =	vxor.u32 $0x80000000, v5;
	(xrf0) =	vmax.scan.msk.u32 $0xffff, v52;
	v56, _, _ =	vpop (xrf0)  }
0x14f: {  	v55 =	vsel vm6, $0xFFFFFFFF, v0;
	v54 =	vxor.u32 $0x80000000, v6;
	(xrf0) =	vmax.scan.msk.u32 $0xffff, v53;
	(v2sf) =	vpush v56, $0xF  }
0x150: {  	v0 =	vsel vm7, $0xFFFFFFFF, v0;
	v2 =	vxor.u32 $0x80000000, v55;
	(xrf0) =	vmax.scan.msk.u32 $0xffff, v54;
	v57, _, _ =	vpop (xrf0)  }
0x151: {  	v0 =	vxor.u32 $0x80000000, v0;
	(xrf0) =	vmax.scan.msk.u32 $0xffff, v2;
	(v2sf) =	vpush v57, $0xF;
	v58, _, _ =	vpop (xrf0)  }
0x152: {  	(xrf0) =	vmax.scan.msk.u32 $0xffff, v0;
	(v2sf) =	vpush v58, $0xF;
	_ =	sdelay $0x1  }
0x153: {  	v59, _, _ =	vpop (xrf0)  }
0x154: {  	v60, _, _ =	vpop (xrf0)  }
0x155: {  	v61, _, _ =	vpop (xrf0)  }
0x156: {  	(v2sf) =	vpush v59, $0xF;
	v62, _, _ =	vpop (xrf0)  }
0x157: {  	v63, _, _ =	vpop (xrf0)  }
0x158: {  	(v2sf) =	vpush v63, $0xF;
	_ =	sdelay $0x4  }
0x159: {  	s16 =	spop (v2sf)  }
0x15a: {  	s15 =	sadd.s32 $0xFFFFFFFF, s15;
	s17 =	sxor.u32 $0x80000000, s16  }
0x15b: {  	p0 =	sne.s32 s15, $0x0;
	s19 =	spop (v2sf);
	p1 =	slt.s32 s17, s4  }
0x15c: {  	s20 =	sadd.s32 $0x80000800, s19;
	s21 =	spop (v2sf);
	p2 =	sge.s32 @!p1 s17, s14  }
0x15d: {  	p5 =	slt.s32 s20, s4;
	s17 =	sadd.s32 $0x80001000, s21;
	p3 =	por p2, p1  }
0x15e: {  	p2 =	sge.s32 @!p5 s20, s14;
	p1 =	slt.s32 s17, s4;
	s18 =	sshll.u32 @!p3 s16, $0xA  }
0x15f: {  	(v2sf) =	vpush v60, $0xF;
	s16 =	sshll.u32 @!p3 s16, $0x7;
	p4 =	sge.s32 @!p1 s17, s14;
	p2 =	por p2, p5  }
0x160: {  	s24 =	simm.s32 @!p3 $0x3;
	s25 =	sshrl.u32 @!p3 s5, $0x3;
	s26 =	simm.s32 @!p3 $0x1  }
0x161: {  	s22 =	sand.u32 @!p3 $0xFFFFE000, s18;
	s18 =	spop (v2sf);
	s23 =	sand.u32 @!p3 $0x380, s16  }
0x162: {  	s20 =	sshll.u32 @!p2 s20, $0xA;
	s19 =	sshll.u32 @!p2 s19, $0x7;
	p1 =	por p4, p1  }
0x163: {  	s16 =	spop (v2sf);
	s22 =	sor.u32 @!p3 s23, s22;
	s23 =	simm.s32 @!p3 $0x80  }
0x164: {  	s20 =	sand.u32 @!p2 $0x7FFFE000, s20;
	s19 =	sand.u32 @!p2 $0x380, s19;
	s17 =	sshll.u32 @!p1 s17, $0xA  }
0x165: {  	s21 =	sshll.u32 @!p1 s21, $0x7;
	s28 =	simm.s32 @!p1 $0x3;
	s22 =	sshrl.u32 @!p3 s22, $0x3  }
0x166: {  	s19 =	sor.u32 @!p2 s19, s20;
	s20 =	simm.s32 @!p2 $0x80;
	s22 =	sadd.s32 @!p3 s2, s22  }
0x167: {  	[hbm:s22@s23], [sflag:s13] =	dma.strided @!p3 [spmem:s25@s23], $0x80, s26, $0x10   }
0x168: {  	s17 =	sand.u32 @!p1 $0x7FFFE000, s17;
	s21 =	sand.u32 @!p1 $0x380, s21;
	s22 =	sadd.s32 $0x80001800, s18  }
0x169: {  	s19 =	sshrl.u32 @!p2 s19, $0x3;
	_ =	swait.ge @!p3 [sflag:s24], $0x80;
	p4 =	slt.s32 s22, s4  }
0x16a: {  	s25 =	simm.s32 @!p2 $0x1;
	p5 =	sge.s32 @!p4 s22, s14;
	[sflag:s24] =	ssyncset.done @!p3 $0x0  }
0x16b: {  	s19 =	sadd.s32 @!p2 s2, s19;
	(v2sf) =	vpush v61, $0xF;
	[sflag:s24] =	ssyncadd.s32 @!p3 $0xFFFFFF80;
	p3 =	por p5, p4  }
0x16c: {  	s23 =	rddreg [dreg:$0x1b];
	s22 =	sshll.u32 @!p3 s22, $0xA;
	s18 =	sshll.u32 @!p3 s18, $0x7  }
0x16d: {  	s24 =	simm.s32 @!p2 $0x3;
	s22 =	sand.u32 @!p3 $0x7FFFE000, s22;
	s18 =	sand.u32 @!p3 $0x380, s18  }
0x16e: {  	s23 =	sshrl.u32 @!p2 s23, $0x3;
	s18 =	sor.u32 @!p3 s18, s22;
	s26 =	spop (v2sf)  }
0x16f: {  	[hbm:s19@s20], [sflag:s13] =	dma.strided @!p2 [spmem:s23@s20], $0x80, s25, $0x10   }
0x170: {  	s22 =	simm.s32 @!p3 $0x80;
	s18 =	sshrl.u32 @!p3 s18, $0x3;
	s19 =	sor.u32 @!p1 s21, s17  }
0x171: {  	s17 =	sadd.s32 $0x80003800, s16;
	s21 =	sadd.s32 $0x80002000, s26;
	s23 =	simm.s32 @!p1 $0x1  }
0x172: {  	s25 =	simm.s32 @!p1 $0x80;
	_ =	swait.ge @!p2 [sflag:s24], $0x80;
	s19 =	sshrl.u32 @!p1 s19, $0x3  }
0x173: {  	s20 =	rddreg [dreg:$0x1c];
	s19 =	sadd.s32 @!p1 s2, s19;
	[sflag:s24] =	ssyncset.done @!p2 $0x0;
	(v2sf) =	vpush v62, $0xF  }
0x174: {  	[sflag:s24] =	ssyncadd.s32 @!p2 $0xFFFFFF80;
	s20 =	sshrl.u32 @!p1 s20, $0x3;
	p2 =	slt.s32 s21, s4  }
0x175: {  	[hbm:s19@s25], [sflag:s13] =	dma.strided @!p1 [spmem:s20@s25], $0x80, s23, $0x10   }
0x176: {  	s18 =	sadd.s32 @!p3 s2, s18;
	p4 =	sge.s32 @!p2 s21, s14;
	s20 =	simm.s32 @!p3 $0x1  }
0x177: {  	s23 =	simm.s32 @!p3 $0x3;
	_ =	swait.ge @!p1 [sflag:s28], $0x80;
	p2 =	por p4, p2  }
0x178: {  	s19 =	rddreg [dreg:$0x1d];
	[sflag:s28] =	ssyncset.done @!p1 $0x0;
	s24 =	sshll.u32 @!p2 s26, $0x7  }
0x179: {  	s21 =	sshll.u32 @!p2 s21, $0xA;
	[sflag:s28] =	ssyncadd.s32 @!p1 $0xFFFFFF80;
	s19 =	sshrl.u32 @!p3 s19, $0x3  }
0x17a: {  	s21 =	sand.u32 @!p2 $0x7FFFE000, s21;
	p1 =	slt.s32 s17, s4;
	s25 =	spop (v2sf)  }
0x17b: {  	s24 =	sand.u32 @!p2 $0x380, s24;
	p6 =	sge.s32 @!p1 s17, s14;
	s26 =	sadd.s32 $0x80002800, s25  }
0x17c: {  	[hbm:s18@s22], [sflag:s13] =	dma.strided @!p3 [spmem:s19@s22], $0x80, s20, $0x10   }
0x17d: {  	s18 =	sor.u32 @!p2 s24, s21;
	s19 =	simm.s32 @!p2 $0x1;
	s20 =	simm.s32 @!p2 $0x80  }
0x17e: {  	s21 =	simm.s32 @!p2 $0x3;
	_ =	swait.ge @!p3 [sflag:s23], $0x80;
	p4 =	slt.s32 s26, s4  }
0x17f: {  	s18 =	sshrl.u32 @!p2 s18, $0x3;
	[sflag:s23] =	ssyncset.done @!p3 $0x0;
	p5 =	sge.s32 @!p4 s26, s14  }
0x180: {  	s22 =	rddreg [dreg:$0x1e];
	s18 =	sadd.s32 @!p2 s2, s18;
	p4 =	por p5, p4  }
0x181: {  	[sflag:s23] =	ssyncadd.s32 @!p3 $0xFFFFFF80;
	s23 =	sshll.u32 @!p4 s26, $0xA;
	s25 =	sshll.u32 @!p4 s25, $0x7  }
0x182: {  	s23 =	sand.u32 @!p4 $0x7FFFE000, s23;
	s25 =	sand.u32 @!p4 $0x380, s25;
	s24 =	spop (v2sf)  }
0x183: {  	s22 =	sshrl.u32 @!p2 s22, $0x3;
	s23 =	sor.u32 @!p4 s25, s23;
	s25 =	sadd.s32 $0x80003000, s24  }
0x184: {  	[hbm:s18@s20], [sflag:s13] =	dma.strided @!p2 [spmem:s22@s20], $0x80, s19, $0x10   }
0x185: {  	s18 =	sshrl.u32 @!p4 s23, $0x3;
	s20 =	simm.s32 @!p4 $0x1;
	_ =	swait.ge @!p2 [sflag:s21], $0x80  }
0x186: {  	p3 =	slt.s32 s25, s4;
	s18 =	sadd.s32 @!p4 s2, s18;
	[sflag:s21] =	ssyncset.done @!p2 $0x0  }
0x187: {  	s19 =	rddreg [dreg:$0x1f];
	p5 =	sge.s32 @!p3 s25, s14;
	[sflag:s21] =	ssyncadd.s32 @!p2 $0xFFFFFF80  }
0x188: {  	s21 =	simm.s32 @!p4 $0x80;
	s19 =	sshrl.u32 @!p4 s19, $0x3;
	p2 =	por p5, p3  }
0x189: {  	[hbm:s18@s21], [sflag:s13] =	dma.strided @!p4 [spmem:s19@s21], $0x80, s20, $0x10   }
0x18a: {  	p1 =	por p6, p1;
	s22 =	simm.s32 @!p4 $0x3;
	s18 =	sshll.u32 @!p2 s25, $0xA  }
0x18b: {  	s19 =	sshll.u32 @!p2 s24, $0x7;
	_ =	swait.ge @!p4 [sflag:s22], $0x80;
	s18 =	sand.u32 @!p2 $0x7FFFE000, s18  }
.Ltmp1:
0x18c: {  	s19 =	sand.u32 @!p2 $0x380, s19;
	s20 =	sld [smem:$0x7FD];
	(pc) =	sbr.rel @p0 .LBB2_1-.Ltmp1, $4  }
0x18d: {  	s21 =	simm.s32 @!p2 $0x80;
	[sflag:s22] =	ssyncset.done @!p4 $0x0;
	s19 =	sor.u32 @!p2 s19, s18  }
0x18e: {  	s18 =	simm.s32 @!p2 $0x3;
	[sflag:s22] =	ssyncadd.s32 @!p4 $0xFFFFFF80;
	s19 =	sshrl.u32 @!p2 s19, $0x3  }
0x18f: {  	s22 =	simm.s32 @!p2 $0x1;
	s19 =	sadd.s32 @!p2 s2, s19;
	s20 =	sshrl.u32 @!p2 s20, $0x3  }
0x190: {  	[hbm:s19@s21], [sflag:s13] =	dma.strided @!p2 [spmem:s20@s21], $0x80, s22, $0x10   }
.LBB2_2:
0x191: {  	_ =	swait.ge @!p2 [sflag:s18], $0x80;
	s3 =	sshll.u32 @!p1 s17, $0xA;
	s4 =	sshll.u32 @!p1 s16, $0x7  }
0x192: {  	s5 =	sld [smem:$0x7FC];
	s3 =	sand.u32 @!p1 $0x7FFFE000, s3;
	s4 =	sand.u32 @!p1 $0x380, s4  }
0x193: {  	s6 =	simm.s32 @!p1 $0x1;
	[sflag:s18] =	ssyncset.done @!p2 $0x0;
	s3 =	sor.u32 @!p1 s4, s3  }
0x194: {  	[sflag:s18] =	ssyncadd.s32 @!p2 $0xFFFFFF80;
	s4 =	simm.s32 @!p1 $0x80;
	s3 =	sshrl.u32 @!p1 s3, $0x3  }
0x195: {  	s5 =	sshrl.u32 @!p1 s5, $0x3;
	s2 =	sadd.s32 @!p1 s2, s3;
	s3 =	simm.s32 @!p1 $0x3  }
0x196: {  	[hbm:s2@s4], [sflag:s13] =	dma.strided @!p1 [spmem:s5@s4], $0x80, s6, $0x10   }
0x197: {  	_ =	swait.ge @!p1 [sflag:s3], $0x80  }
0x198: {  	[sflag:s3] =	ssyncset.done @!p1 $0x0  }
0x199: {  	[sflag:s3] =	ssyncadd.s32 @!p1 $0xFFFFFF80  }
0x19a: {  	_ =	sfence.sel $0x180000  }
0x19b: {  	[bflag:$0x0] =	sbarrier.arrive $0xFFFF  }
0x19c: {  	p0 =	sne.s32 s1, $0x0;
	_ =	strace $0x9000004A  }
0x19d: {  	s0 =	sadd.s32 @!p0 $0x100000, s0;
	[bflag:$0x2] =	sbarrier.arrive $0xFFFF  }
0x19e: {  	[sflag:s0] =	ssyncadd.tile.s32 @!p0 $0x1;
	_ =	shalt  }
.Lfunc_end2:
_tile_overlayer_lowered:
.L_overlay_start_2:
0x19f: {  	(tag) =	ssettag $0x2  }
0x1a0: {  	s0 =	rddreg [dreg:$0x0];
	s2 =	stileid.u32  }
0x1a1: {  	s1 =	rddreg [dreg:$0x1];
	p0 =	sne.s32 s2, $0x0  }
0x1a2: {  	s3 =	rddreg [dreg:$0x2];
	[bflag:$0x3] =	sbarrier.arrive $0xFFFF;
	s2 =	simm.s32 @!p0 $0x1C03  }
0x1a3: {  	[timem:s3], [sflag:s2] =	dma.local @!p0 [hbm:s0], s1  }
0x1a4: {  	s0 =	simm.s32 @!p0 $0x3  }
0x1a5: {  	_ =	swait.ge @!p0 [sflag:s0], s1  }
0x1a6: {  	s1 =	ssub.s32 @!p0 $0x0, s1;
	[sflag:s0] =	ssyncset.done @!p0 $0x0  }
0x1a7: {  	[sflag:s0] =	ssyncadd.s32 @!p0 s1  }
0x1a8: {  	[bflag:$0x3] =	sbarrier.arrive $0xFFFF  }
0x1a9: {  	_ =	shalt  }

// kernel: sparse-core-data-format-call.1.cloned.1.call-start
scs
called_computation.1_lowered:
.L_overlay_start_0:
0x0: {  	s2 =	sld [smem:$0x3FD9]  }
0x1: {  	s3 =	sld [smem:$0x3FFE];
	_ =	sdelay $0x1  }
0x2: {  	s1 =	srdreg.scid  }
0x3: {  	s0 =	sand.u32 $0x1, s1  }
0x4: {  	s16 =	sshll.u32 s0, $0xA;
	s2 =	sadd.s32 s3, s2  }
0x5: {  	s2 =	sadd.s32 s2, s16  }
0x6: {  	[smem:$0x3FC3] =	sst s2  }
0x7: {  	_ = 	snop  }
0x8: {  	s2 =	sld [smem:$0x3FD0];
	_ =	sdelay $0x2  }
0x9: {  	s4 =	simm.s32 $0xA;
	s5 =	simm.s32 $0x10;
	s17 =	sld [smem:$0x3FC8]  }
0xa: {  	[smem:s5], [sflag:s4] =	dma.local [hbm:s2], $0x1  }
0xb: {  	_ =	swait.eq [sflag:s4], $0x1  }
0xc: {  	[sflag:s4] =	ssyncset.done $0x0  }
0xd: {  	[sflag:s4] =	ssyncadd.s32 $0xFFFFFFFF  }
0xe: {  	s18 =	sld [smem:$0x11];
	(tm) =	ssettm $0x1  }
0xf: {  	s19 =	sld [smem:$0x3FFB];
	_ =	sdelay $0x3  }
0x10: {  	_ =	strace s19  }
0x11: {  	s4 =	sld [smem:$0x3FFC];
	_ =	sdelay $0x3  }
0x12: {  	_ =	strace s4  }
0x13: {  	s4 =	sld [smem:$0x3FFD];
	_ =	sdelay $0x3  }
0x14: {  	_ =	strace s4  }
0x15: {  	_ =	strace $0x8FFFFFFF  }
0x16: {  	s20 =	sld [smem:$0x3FDB];
	_ =	sdelay $0x1  }
0x17: {  	s21 =	simm.s32 $_scs_section_size  }
0x18: {  	s6 =	simm.s32 $_size__tile_overlayer_lowered;
	s7 =	simm.s32 $_tile_overlayer_lowered  }
0x19: {  	s24 =	simm.s32 $0x1BFF;
	s23 =	sshll.u32 s7, $0x1;
	s4 =	sadd.s32 s21, s20  }
0x1a: {  	s8 =	simm.s32 $0x0;
	s22 =	sshll.u32 s6, $0x1;
	s6 =	sadd.s32 s23, s4  }
0x1b: {  	[timem:s8], [sflag:s24] =	dma.local [hbm:s6], s22  }
0x1c: {  	_ =	swait.ge [sflag:s24], s22  }
0x1d: {  	s5 =	ssub.s32 $0x0, s22;
	[sflag:s24] =	ssyncset.done $0x0  }
0x1e: {  	[sflag:s24] =	ssyncadd.s32 s5;
	_ =	sdelay $0x1  }
0x1f: {  	s25 =	simm.s32 $0x1B8B  }
0x20: {  	_ =	swait.ge [sflag:s25], $0x1  }
0x21: {  	[sflag:s25] =	ssyncset.done $0x0  }
0x22: {  	s26 =	simm.s32 $0x1B8E;
	[sflag:s25] =	ssyncadd.s32 $0xFFFFFFFF  }
0x23: {  	s27 =	simm.s32 $execute0_lowered;
	[smem:$0x3FD2] =	sst s26  }
0x24: {  	s5 =	sshll.u32 s27, $0x1;
	_ =	strace $0x80000046;
	[dreg:$0x1] =	wrdreg $0xFFFFFFFF  }
0x25: {  	s28 =	simm.s32 $_size_execute0_lowered;
	s4 =	sadd.s32 s4, s5;
	[dreg:$0x0] =	wrdreg $0x0  }
0x26: {  	s5 =	sshll.u32 s28, $0x1;
	[dreg:$0x2] =	wrdreg s4  }
0x27: {  	[dreg:$0x3] =	wrdreg s5  }
0x28: {  	[dreg:$0x4] =	wrdreg $0xC0  }
0x29: {  	_ =	task [dreg:s8], $0x5FFFF  }
0x2a: {  	[dreg:$0x1] =	wrdreg $0xFFFFFFFF  }
0x2b: {  	[dreg:$0x0] =	wrdreg $0x60  }
0x2c: {  	[dreg:$0x2] =	wrdreg s17  }
0x2d: {  	[dreg:$0x3] =	wrdreg s18  }
0x2e: {  	[dreg:$0x4] =	wrdreg $0x9  }
0x2f: {  	_ =	task.clear_ibuf [dreg:s8], $0x5FFFF;
	_ =	strace $0x90000046  }
0x30: {  	s29 =	simm.s32 $0x9;
	_ =	strace $0x80000048  }
0x31: {  	_ =	swait.ge [sflag:s29], $0x1  }
0x32: {  	[sflag:s29] =	ssyncadd.s32 $0xFFFFFFFF  }
0x33: {  	_ =	strace $0x90000048  }
0x34: {  	_ =	sfence  }
0x35: {  	s30 =	sld [smem:$0x0];
	_ =	sdelay $0x2  }
0x36: {  	s31 =	sshll.u32 s1, $0xD;
	s1 =	sshrl.u32 s1, $0x2  }
0x37: {  	s3 =	sand.u32 $0x4000, s31;
	s1 =	sadd.s32 s1, s30  }
0x38: {  	s0 =	sor.u32 s3, s0;
	s1 =	sshll.u32 s1, $0x11  }
0x39: {  	s0 =	sor.u32 s1, s0  }
0x3a: {  	s0 =	sadd.s32 $0x8F2B, s0  }
0x3b: {  	[sflag:s0] =	ssyncadd.remote.s32 $0x1  }
0x3c: {  	_ =	sfence.sel $0xFFFF  }
0x3d: {  	[dreg:$0x0] =	wrdreg $0xFFFFFFFF;
	(pc) =	sbr.abs _section_cstart, $3  }
0x3e: {  	[dreg:$0x1] =	wrdreg $0xFFFFFFFF  }
0x3f: {  	_ =	task.clear_ibuf [dreg:s8], $0x2FFFF;
	_ =	strace $0x9FFFFFFF  }
0x40: {  	(tm) =	ssettm $0x7FFFFFFF  }
0x41: {  	_ =	shalt  }
tec
execute0_lowered:
.L_overlay_start_1:
0x0: {  	(tag) =	ssettag $0x1  }
0x1: {  	s0 =	srdreg.scid  }
0x2: {  	s1 =	sshll.u32 s0, $0x4  }
0x3: {  	s2 =	rddreg [dreg:$0x0];
	s0 =	stileid.u32;
	s1 =	sand.u32 $0x10, s1  }
0x4: {  	s4 =	rddreg [dreg:$0x1];
	s1 =	sor.u32 s0, s1  }
0x5: {  	s7 =	simm.s32 $0x1;
	s8 =	simm.s32 $0x2;
	s3 =	sshll.u32 s1, $0x1  }
0x6: {  	s9 =	simm.s32 $0x0;
	s12 =	simm.s32 $0x0;
	s6 =	ssub.s32 $0x800, s3  }
.Ltmp0:
0x7: {  	s11 =	simm.s32 $0x0;
	s5 =	sand.u32 $0x3E, s6;
	(pc) =	sbr.rel .LBB1_1-.Ltmp0, $4  }
0x8: {  	s1 =	rddreg [dreg:$0x2];
	_ =	strace $0x80000047;
	p0 =	sne.s32 s5, $0x0  }
0x9: {  	s6 =	sshrl.u32 s6, $0x6;
	s5 =	simm.s32 $0x1;
	s7 =	simm.s32 @!p0 $0x0  }
0xa: {  	s10 =	smov.u32 s3;
	[sflag:s5] =	ssyncpa.u1 $0x0;
	s6 =	sadd.s32 s7, s6  }
0xb: {  	[sflag:s8] =	ssyncpa.u1 $0x0;
	s8 =	simm.s32 $0x0;
	s7 =	sadd.s32 $0x1, s6  }
.LBB1_9:
0xc: {  	s14 =	sadd.s32 $0x40, s10  }
0xd: {  	p1 =	sgt.s32 s14, $0x7FF  }
0xe: {  	s14 =	smov.u32 @p1 s3;
	p1 =	sne.s32 s11, s7  }
.Ltmp1:
0xf: {  	p0 =	slt.u32 s11, $0x2;
	(pc) =	sbr.rel @!p1 .LBB1_10-.Ltmp1, $4  }
0x10: {  	s13 =	simm.s32 @!p0 $0x2  }
0x11: {  	s15 =	sadd.s32 $0x1, s11;
	_ =	swait.ge @!p0 [sflag:s13], $0x4000  }
0x12: {  	s12 =	smov.u32 s10;
	s9 =	sadd.s32 $0x4000, s9;
	[sflag:s13] =	ssyncset.done @!p0 $0x0  }
0x13: {  	s11 =	smov.u32 s15;
	s10 =	smov.u32 s14;
	[sflag:s13] =	ssyncadd.s32 @!p0 $0xFFFFC000  }
.LBB1_1:
0x14: {  	p0 =	sge.u32 s11, s6  }
0x15: {  	s13 =	sxor.u32 @!p0 $0xFFFFFFFF, s11  }
0x16: {  	s31 =	sadd.s32 $0xFFFFFFFF, s11;
	s14 =	sshll.u32 @!p0 s10, $0xA;
	s13 =	sshll.u32 @!p0 s13, $0xE  }
0x17: {  	s15 =	simm.s32 @!p0 $0x0;
	s14 =	sadd.s32 @!p0 s2, s14;
	s13 =	sand.u32 @!p0 $0x4000, s13  }
0x18: {  	[tilespmem:s13], [sflag:$0x1] =	stream.linear.gather @!p0 [hbm4b:s14+s15], $0x4000, $0x38;
	[tilespmem:$0x10000] =	vst v63  }
0x19: {  	p0 =	sge.u32 s31, s6  }
.Ltmp2:
0x1a: {  	_ = 	snop;
	(pc) =	sbr.rel @p0 .LBB1_9-.Ltmp2, $1  }
0x1b: {  	_ =	sdelay $0x3  }
0x1c: {  	s13 =	sshll.u32 s9, $0x2  }
0x1d: {  	_ =	swait.ge [sflag:s5], $0x4000;
	s14 =	sshll.u32 s11, $0xE;
	s16 =	simm.s32 $0x0  }
0x1e: {  	p1 =	por $0x1, $0x1;
	s13 =	sand.u32 $0x10000, s13;
	[sflag:s5] =	ssyncset.done $0x0  }
0x1f: {  	s14 =	sand.u32 $0x4000, s14;
	s15 =	sshrl.u32 s13, $0x2;
	[sflag:s5] =	ssyncadd.s32 $0xFFFFC000  }
0x20: {  	s13 =	sor.u32 $0x8000, s14;
	s14 =	sadd.s32 $0x8040, s15;
	s15 =	sadd.s32 $0x40, s15  }
.LBB1_3:
0x21: {  	s16 =	sshll.u32 s16, $0x2  }
0x22: {  	p0 =	por p1, p1;
	s17 =	sshra.s32 s16, $0x2  }
0x23: {  	s18 =	simm.s32 $0x0;
	s16 =	sadd.s32 s17, s14;
	s17 =	sadd.s32 s17, s15  }
.LBB1_4:
0x24: {  	v0 =	vmov s17;
	_ =	sdelay $0x3  }
0x25: {  	s20 =	simm.s32 $0x0  }
0x26: {  	v6 =	vld.idx.msk [tilespmem:v0+s20+$0x30 ss:$0x1], $0xffff  }
0x27: {  	v7 =	vld.idx.msk [tilespmem:v0+s20+$0xFFFFFFC0 ss:$0x1], $0xffff  }
0x28: {  	v5 =	vld.idx.msk [tilespmem:v0+s20+$0xFFFFFFD0 ss:$0x1], $0xffff  }
0x29: {  	v4 =	vld.idx.msk [tilespmem:v0+s20+$0xFFFFFFE0 ss:$0x1], $0xffff  }
0x2a: {  	v3 =	vld.idx.msk [tilespmem:v0+s20+$0xFFFFFFF0 ss:$0x1], $0xffff  }
0x2b: {  	v1 =	vld.idx.msk [tilespmem:v0+s20+$0x0 ss:$0x1], $0xffff  }
0x2c: {  	v2 =	vld.idx.msk [tilespmem:v0+s20+$0x10 ss:$0x1], $0xffff;
	[tilespmem:s16+$0x30] =	vst v6  }
0x2d: {  	s19 =	simm.s32 $0x80;
	s21 =	simm.s32 $0x400;
	[tilespmem:s16+$0xFFFFFFC0] =	vst v7;
	v6 =	vld.idx.msk [tilespmem:v0+s20+$0x20 ss:$0x1], $0xffff;
	s20 =	smov.u32 s16  }
.LBB1_5:
0x2e: {  	p1 =	sne.s32 s21, $0xE00;
	v7 =	vld.idx.msk [tilespmem:v0+s19+$0x30 ss:$0x1], $0xffff;
	[tilespmem:s20+$0xFFFFFFD0] =	vst v5  }
0x2f: {  	v8 =	vld.idx.msk [tilespmem:v0+s19+$0xFFFFFFC0 ss:$0x1], $0xffff;
	[tilespmem:s20+$0xFFFFFFE0] =	vst v4  }
0x30: {  	v5 =	vld.idx.msk [tilespmem:v0+s19+$0xFFFFFFD0 ss:$0x1], $0xffff;
	[tilespmem:s20+$0xFFFFFFF0] =	vst v3  }
.Ltmp3:
0x31: {  	v4 =	vld.idx.msk [tilespmem:v0+s19+$0xFFFFFFE0 ss:$0x1], $0xffff;
	[tilespmem:s20+$0x0] =	vst v1;
	(pc) =	sbr.rel @p1 .LBB1_5-.Ltmp3, $4  }
0x32: {  	v3 =	vld.idx.msk [tilespmem:v0+s19+$0xFFFFFFF0 ss:$0x1], $0xffff;
	[tilespmem:s20+$0x10] =	vst v2  }
0x33: {  	v1 =	vld.idx.msk [tilespmem:v0+s19+$0x0 ss:$0x1], $0xffff;
	[tilespmem:s20+$0x20] =	vst v6;
	s20 =	sadd.s32 $0x400, s20  }
0x34: {  	v2 =	vld.idx.msk [tilespmem:v0+s19+$0x10 ss:$0x1], $0xffff;
	[tilespmem:s20+$0x30] =	vst v7  }
0x35: {  	[tilespmem:s20+$0xFFFFFFC0] =	vst v8;
	v6 =	vld.idx.msk [tilespmem:v0+s19+$0x20 ss:$0x1], $0xffff;
	s19 =	sshra.s32 s21, $0x2;
	s21 =	sadd.s32 $0x200, s21  }
0x36: {  	_ =	sdelay $0x2  }
0x37: {  	[tilespmem:s20+$0xFFFFFFD0] =	vst v5  }
0x38: {  	v56 =	vld.idx.msk [tilespmem:v0+s19+$0x30 ss:$0x1], $0xffff;
	[tilespmem:s20+$0xFFFFFFE0] =	vst v4  }
0x39: {  	v57 =	vld.idx.msk [tilespmem:v0+s19+$0xFFFFFFC0 ss:$0x1], $0xffff;
	[tilespmem:s20+$0xFFFFFFF0] =	vst v3  }
0x3a: {  	v58 =	vld.idx.msk [tilespmem:v0+s19+$0xFFFFFFD0 ss:$0x1], $0xffff;
	[tilespmem:s20+$0x0] =	vst v1  }
0x3b: {  	v59 =	vld.idx.msk [tilespmem:v0+s19+$0xFFFFFFE0 ss:$0x1], $0xffff;
	[tilespmem:s20+$0x10] =	vst v2  }
0x3c: {  	v60 =	vld.idx.msk [tilespmem:v0+s19+$0xFFFFFFF0 ss:$0x1], $0xffff;
	s31 =	sadd.s32 $0x400, s20;
	[tilespmem:s20+$0x20] =	vst v6  }
0x3d: {  	v61 =	vld.idx.msk [tilespmem:v0+s19+$0x0 ss:$0x1], $0xffff;
	[tilespmem:s31+$0x30] =	vst v56  }
0x3e: {  	v62 =	vld.idx.msk [tilespmem:v0+s19+$0x10 ss:$0x1], $0xffff;
	s18 =	sadd.s32 $0x1, s18;
	[tilespmem:s31+$0xFFFFFFC0] =	vst v57  }
0x3f: {  	v63 =	vld.idx.msk [tilespmem:v0+s19+$0x20 ss:$0x1], $0xffff;
	p1 =	sne.s32 s18, $0x8;
	[tilespmem:s31+$0xFFFFFFD0] =	vst v58  }
.Ltmp4:
0x40: {  	[tilespmem:s31+$0xFFFFFFE0] =	vst v59;
	(pc) =	sbr.rel @p1 .LBB1_4-.Ltmp4, $4  }
0x41: {  	[tilespmem:s31+$0xFFFFFFF0] =	vst v60  }
0x42: {  	[tilespmem:s31+$0x0] =	vst v61  }
0x43: {  	[tilespmem:s31+$0x10] =	vst v62  }
0x44: {  	s16 =	sadd.s32 $0x80, s16;
	s17 =	sadd.s32 $0x400, s17;
	[tilespmem:s31+$0x20] =	vst v63  }
.Ltmp5:
0x45: {  	(pc) =	sbr.rel @p0 .LBB1_3-.Ltmp5, $2  }
0x46: {  	_ =	sdelay $0x2  }
0x47: {  	s16 =	simm.s32 $0x2000;
	p1 =	por $0x0, $0x0  }
.Ltmp6:
0x48: {  	(pc) =	sbr.rel .LBB1_9-.Ltmp6, $4  }
0x49: {  	_ = 	snop  }
0x4a: {  	s12 =	sshll.u32 s12, $0xA  }
0x4b: {  	s12 =	sadd.s32 s4, s12  }
0x4c: {  	[hbm4b:s12+s8] =	stream.linear.scatter [tilespmem:s13], [sflag:$0x2], $0x4000, $0x38;
	[tilespmem:$0x10000] =	vst v63  }
.LBB1_10:
0x4d: {  	_ =	sfence.sel $0x180000  }
0x4e: {  	s2 =	simm.s32 $0x1;
	[bflag:$0x0] =	sbarrier.arrive $0xFFFF  }
0x4f: {  	s31 =	simm.s32 $0x2;
	[sflag:s2] =	ssyncpa.u1 $0x1  }
0x50: {  	[sflag:s31] =	ssyncpa.u1 $0x1  }
0x51: {  	p0 =	sne.s32 s0, $0x0;
	_ =	strace $0x90000047  }
0x52: {  	s0 =	sadd.s32 @!p0 $0x100000, s1;
	[bflag:$0x2] =	sbarrier.arrive $0xFFFF  }
0x53: {  	[sflag:s0] =	ssyncadd.tile.s32 @!p0 $0x1;
	_ =	shalt  }
.Lfunc_end1:
_tile_overlayer_lowered:
.L_overlay_start_2:
0x54: {  	(tag) =	ssettag $0x2  }
0x55: {  	s0 =	rddreg [dreg:$0x0];
	s2 =	stileid.u32  }
0x56: {  	s1 =	rddreg [dreg:$0x1];
	p0 =	sne.s32 s2, $0x0  }
0x57: {  	s3 =	rddreg [dreg:$0x2];
	[bflag:$0x3] =	sbarrier.arrive $0xFFFF;
	s2 =	simm.s32 @!p0 $0x1C01  }
0x58: {  	[timem:s3], [sflag:s2] =	dma.local @!p0 [hbm:s0], s1  }
0x59: {  	s0 =	simm.s32 @!p0 $0x1  }
0x5a: {  	_ =	swait.ge @!p0 [sflag:s0], s1  }
0x5b: {  	s1 =	ssub.s32 @!p0 $0x0, s1;
	[sflag:s0] =	ssyncset.done @!p0 $0x0  }
0x5c: {  	[sflag:s0] =	ssyncadd.s32 @!p0 s1  }
0x5d: {  	[bflag:$0x3] =	sbarrier.arrive $0xFFFF  }
0x5e: {  	_ =	shalt  }

// kernel: sparse-core-data-format-call.cloned.1.call-start
scs
called_computation_lowered:
.L_overlay_start_0:
0x0: {  	s2 =	sld [smem:$0x3FD9]  }
0x1: {  	s3 =	sld [smem:$0x3FFE];
	_ =	sdelay $0x1  }
0x2: {  	s1 =	srdreg.scid  }
0x3: {  	s0 =	sand.u32 $0x1, s1  }
0x4: {  	s15 =	sshll.u32 s0, $0xA;
	s2 =	sadd.s32 s3, s2  }
0x5: {  	s2 =	sadd.s32 s2, s15  }
0x6: {  	[smem:$0x3FC3] =	sst s2  }
0x7: {  	_ = 	snop  }
0x8: {  	s2 =	sld [smem:$0x3FD0];
	_ =	sdelay $0x2  }
0x9: {  	s16 =	simm.s32 $0xA;
	s4 =	simm.s32 $0x10  }
0xa: {  	[smem:s4], [sflag:s16] =	dma.local [hbm:s2], $0x1  }
0xb: {  	_ =	swait.eq [sflag:s16], $0x1  }
0xc: {  	[sflag:s16] =	ssyncset.done $0x0  }
0xd: {  	[sflag:s16] =	ssyncadd.s32 $0xFFFFFFFF  }
0xe: {  	s17 =	sld [smem:$0x11];
	(tm) =	ssettm $0x1  }
0xf: {  	s18 =	sld [smem:$0x3FFB];
	_ =	sdelay $0x3  }
0x10: {  	_ =	strace s18  }
0x11: {  	s3 =	sld [smem:$0x3FFC];
	_ =	sdelay $0x3  }
0x12: {  	_ =	strace s3  }
0x13: {  	s3 =	sld [smem:$0x3FFD];
	_ =	sdelay $0x3  }
0x14: {  	_ =	strace s3  }
0x15: {  	_ =	strace $0x8FFFFFFF  }
0x16: {  	s19 =	sld [smem:$0x3FDB];
	_ =	sdelay $0x1  }
0x17: {  	s20 =	simm.s32 $_scs_section_size  }
0x18: {  	s5 =	simm.s32 $_size__tile_overlayer_lowered;
	s6 =	simm.s32 $_tile_overlayer_lowered  }
0x19: {  	s23 =	simm.s32 $0x1BFF;
	s22 =	sshll.u32 s6, $0x1;
	s3 =	sadd.s32 s20, s19  }
0x1a: {  	s7 =	simm.s32 $0x0;
	s21 =	sshll.u32 s5, $0x1;
	s5 =	sadd.s32 s22, s3  }
0x1b: {  	[timem:s7], [sflag:s23] =	dma.local [hbm:s5], s21  }
0x1c: {  	_ =	swait.ge [sflag:s23], s21  }
0x1d: {  	s4 =	ssub.s32 $0x0, s21;
	[sflag:s23] =	ssyncset.done $0x0  }
0x1e: {  	[sflag:s23] =	ssyncadd.s32 s4;
	_ =	sdelay $0x1  }
0x1f: {  	s24 =	simm.s32 $0x1B8B  }
0x20: {  	_ =	swait.ge [sflag:s24], $0x1  }
0x21: {  	[sflag:s24] =	ssyncset.done $0x0  }
0x22: {  	s26 =	simm.s32 $0x1B8E;
	s25 =	sld [smem:$0x3FFE];
	[sflag:s24] =	ssyncadd.s32 $0xFFFFFFFF  }
0x23: {  	s27 =	simm.s32 $execute0_lowered;
	[smem:$0x3FD2] =	sst s26  }
0x24: {  	s5 =	sshll.u32 s27, $0x1;
	_ =	strace $0x8000004C;
	[dreg:$0x1] =	wrdreg $0xFFFFFFFF  }
0x25: {  	s28 =	simm.s32 $_size_execute0_lowered;
	s3 =	sadd.s32 s3, s5;
	[dreg:$0x0] =	wrdreg $0x0  }
0x26: {  	s5 =	sshll.u32 s28, $0x1;
	[dreg:$0x2] =	wrdreg s3  }
0x27: {  	[dreg:$0x3] =	wrdreg s5  }
0x28: {  	[dreg:$0x4] =	wrdreg $0xC0  }
0x29: {  	_ =	task [dreg:s7], $0x5FFFF  }
0x2a: {  	[dreg:$0x1] =	wrdreg $0xFFFFFFFF  }
0x2b: {  	[dreg:$0x0] =	wrdreg $0x60  }
0x2c: {  	[dreg:$0x2] =	wrdreg s25  }
0x2d: {  	[dreg:$0x3] =	wrdreg s17  }
0x2e: {  	[dreg:$0x4] =	wrdreg $0x9  }
0x2f: {  	_ =	task.clear_ibuf [dreg:s7], $0x5FFFF;
	_ =	strace $0x9000004C  }
0x30: {  	s29 =	simm.s32 $0x9;
	_ =	strace $0x8000004E  }
0x31: {  	_ =	swait.ge [sflag:s29], $0x1  }
0x32: {  	[sflag:s29] =	ssyncadd.s32 $0xFFFFFFFF  }
0x33: {  	_ =	strace $0x9000004E  }
0x34: {  	_ =	sfence  }
0x35: {  	s30 =	sld [smem:$0x0];
	_ =	sdelay $0x2  }
0x36: {  	s31 =	sshll.u32 s1, $0xD;
	s1 =	sshrl.u32 s1, $0x2  }
0x37: {  	s3 =	sand.u32 $0x4000, s31;
	s1 =	sadd.s32 s1, s30  }
0x38: {  	s0 =	sor.u32 s3, s0;
	s1 =	sshll.u32 s1, $0x11  }
0x39: {  	s0 =	sor.u32 s1, s0  }
0x3a: {  	s0 =	sadd.s32 $0x8F2B, s0  }
0x3b: {  	[sflag:s0] =	ssyncadd.remote.s32 $0x1  }
0x3c: {  	_ =	sfence.sel $0xFFFF  }
0x3d: {  	[dreg:$0x0] =	wrdreg $0xFFFFFFFF;
	(pc) =	sbr.abs _section_cstart, $3  }
0x3e: {  	[dreg:$0x1] =	wrdreg $0xFFFFFFFF  }
0x3f: {  	_ =	task.clear_ibuf [dreg:s7], $0x2FFFF;
	_ =	strace $0x9FFFFFFF  }
0x40: {  	(tm) =	ssettm $0x7FFFFFFF  }
0x41: {  	_ =	shalt  }
tec
execute0_lowered:
.L_overlay_start_1:
0x0: {  	(tag) =	ssettag $0x1  }
0x1: {  	s0 =	srdreg.scid  }
0x2: {  	s1 =	sshll.u32 s0, $0x4  }
0x3: {  	s4 =	rddreg [dreg:$0x0];
	s0 =	stileid.u32;
	s1 =	sand.u32 $0x10, s1  }
0x4: {  	s2 =	rddreg [dreg:$0x1];
	s7 =	simm.s32 $0x1;
	s1 =	sor.u32 s0, s1  }
0x5: {  	s8 =	simm.s32 $0x2;
	s9 =	simm.s32 $0x0;
	s3 =	sshll.u32 s1, $0x1  }
0x6: {  	s12 =	simm.s32 $0x0;
	s11 =	simm.s32 $0x0;
	s6 =	ssub.s32 $0x800, s3  }
.Ltmp0:
0x7: {  	s4 =	sadd.s32 $0x1200, s4;
	s5 =	sand.u32 $0x3E, s6;
	(pc) =	sbr.rel .LBB1_1-.Ltmp0, $4  }
0x8: {  	s1 =	rddreg [dreg:$0x2];
	_ =	strace $0x8000004D;
	p0 =	sne.s32 s5, $0x0  }
0x9: {  	s6 =	sshrl.u32 s6, $0x6;
	s5 =	simm.s32 $0x1;
	s7 =	simm.s32 @!p0 $0x0  }
0xa: {  	s10 =	smov.u32 s3;
	[sflag:s5] =	ssyncpa.u1 $0x0;
	s6 =	sadd.s32 s7, s6  }
0xb: {  	[sflag:s8] =	ssyncpa.u1 $0x0;
	s8 =	simm.s32 $0x0;
	s7 =	sadd.s32 $0x1, s6  }
.LBB1_9:
0xc: {  	s14 =	sadd.s32 $0x40, s10  }
0xd: {  	p1 =	sgt.s32 s14, $0x7FF  }
0xe: {  	s14 =	smov.u32 @p1 s3;
	p1 =	sne.s32 s11, s7  }
.Ltmp1:
0xf: {  	p0 =	slt.u32 s11, $0x2;
	(pc) =	sbr.rel @!p1 .LBB1_10-.Ltmp1, $4  }
0x10: {  	s13 =	simm.s32 @!p0 $0x2  }
0x11: {  	s15 =	sadd.s32 $0x1, s11;
	_ =	swait.ge @!p0 [sflag:s13], $0x4000  }
0x12: {  	s12 =	smov.u32 s10;
	s9 =	sadd.s32 $0x4000, s9;
	[sflag:s13] =	ssyncset.done @!p0 $0x0  }
0x13: {  	s11 =	smov.u32 s15;
	s10 =	smov.u32 s14;
	[sflag:s13] =	ssyncadd.s32 @!p0 $0xFFFFC000  }
.LBB1_1:
0x14: {  	p0 =	sge.u32 s11, s6  }
0x15: {  	s13 =	sxor.u32 @!p0 $0xFFFFFFFF, s11  }
0x16: {  	s31 =	sadd.s32 $0xFFFFFFFF, s11;
	s14 =	sshll.u32 @!p0 s10, $0xA;
	s13 =	sshll.u32 @!p0 s13, $0xE  }
0x17: {  	s15 =	simm.s32 @!p0 $0x0;
	s14 =	sadd.s32 @!p0 s4, s14;
	s13 =	sand.u32 @!p0 $0x4000, s13  }
0x18: {  	[tilespmem:s13], [sflag:$0x1] =	stream.linear.gather @!p0 [hbm4b:s14+s15], $0x4000, $0x38;
	[tilespmem:$0x10000] =	vst v63  }
0x19: {  	p0 =	sge.u32 s31, s6  }
.Ltmp2:
0x1a: {  	_ = 	snop;
	(pc) =	sbr.rel @p0 .LBB1_9-.Ltmp2, $1  }
0x1b: {  	_ =	sdelay $0x3  }
0x1c: {  	s13 =	sshll.u32 s9, $0x2  }
0x1d: {  	_ =	swait.ge [sflag:s5], $0x4000;
	s14 =	sshll.u32 s11, $0xE;
	s16 =	simm.s32 $0x0  }
0x1e: {  	p1 =	por $0x1, $0x1;
	s13 =	sand.u32 $0x10000, s13;
	[sflag:s5] =	ssyncset.done $0x0  }
0x1f: {  	s14 =	sand.u32 $0x4000, s14;
	s15 =	sshrl.u32 s13, $0x2;
	[sflag:s5] =	ssyncadd.s32 $0xFFFFC000  }
0x20: {  	s13 =	sor.u32 $0x8000, s14;
	s14 =	sadd.s32 $0x8040, s15;
	s15 =	sadd.s32 $0x40, s15  }
.LBB1_3:
0x21: {  	s16 =	sshll.u32 s16, $0x2  }
0x22: {  	p0 =	por p1, p1;
	s17 =	sshra.s32 s16, $0x2  }
0x23: {  	s18 =	simm.s32 $0x0;
	s16 =	sadd.s32 s17, s14;
	s17 =	sadd.s32 s17, s15  }
.LBB1_4:
0x24: {  	v0 =	vmov s17;
	_ =	sdelay $0x3  }
0x25: {  	s20 =	simm.s32 $0x0  }
0x26: {  	v6 =	vld.idx.msk [tilespmem:v0+s20+$0x30 ss:$0x1], $0xffff  }
0x27: {  	v7 =	vld.idx.msk [tilespmem:v0+s20+$0xFFFFFFC0 ss:$0x1], $0xffff  }
0x28: {  	v5 =	vld.idx.msk [tilespmem:v0+s20+$0xFFFFFFD0 ss:$0x1], $0xffff  }
0x29: {  	v4 =	vld.idx.msk [tilespmem:v0+s20+$0xFFFFFFE0 ss:$0x1], $0xffff  }
0x2a: {  	v3 =	vld.idx.msk [tilespmem:v0+s20+$0xFFFFFFF0 ss:$0x1], $0xffff  }
0x2b: {  	v1 =	vld.idx.msk [tilespmem:v0+s20+$0x0 ss:$0x1], $0xffff  }
0x2c: {  	v2 =	vld.idx.msk [tilespmem:v0+s20+$0x10 ss:$0x1], $0xffff;
	[tilespmem:s16+$0x30] =	vst v6  }
0x2d: {  	s19 =	simm.s32 $0x80;
	s21 =	simm.s32 $0x400;
	[tilespmem:s16+$0xFFFFFFC0] =	vst v7;
	v6 =	vld.idx.msk [tilespmem:v0+s20+$0x20 ss:$0x1], $0xffff;
	s20 =	smov.u32 s16  }
.LBB1_5:
0x2e: {  	p1 =	sne.s32 s21, $0xE00;
	v7 =	vld.idx.msk [tilespmem:v0+s19+$0x30 ss:$0x1], $0xffff;
	[tilespmem:s20+$0xFFFFFFD0] =	vst v5  }
0x2f: {  	v8 =	vld.idx.msk [tilespmem:v0+s19+$0xFFFFFFC0 ss:$0x1], $0xffff;
	[tilespmem:s20+$0xFFFFFFE0] =	vst v4  }
0x30: {  	v5 =	vld.idx.msk [tilespmem:v0+s19+$0xFFFFFFD0 ss:$0x1], $0xffff;
	[tilespmem:s20+$0xFFFFFFF0] =	vst v3  }
.Ltmp3:
0x31: {  	v4 =	vld.idx.msk [tilespmem:v0+s19+$0xFFFFFFE0 ss:$0x1], $0xffff;
	[tilespmem:s20+$0x0] =	vst v1;
	(pc) =	sbr.rel @p1 .LBB1_5-.Ltmp3, $4  }
0x32: {  	v3 =	vld.idx.msk [tilespmem:v0+s19+$0xFFFFFFF0 ss:$0x1], $0xffff;
	[tilespmem:s20+$0x10] =	vst v2  }
0x33: {  	v1 =	vld.idx.msk [tilespmem:v0+s19+$0x0 ss:$0x1], $0xffff;
	[tilespmem:s20+$0x20] =	vst v6;
	s20 =	sadd.s32 $0x400, s20  }
0x34: {  	v2 =	vld.idx.msk [tilespmem:v0+s19+$0x10 ss:$0x1], $0xffff;
	[tilespmem:s20+$0x30] =	vst v7  }
0x35: {  	[tilespmem:s20+$0xFFFFFFC0] =	vst v8;
	v6 =	vld.idx.msk [tilespmem:v0+s19+$0x20 ss:$0x1], $0xffff;
	s19 =	sshra.s32 s21, $0x2;
	s21 =	sadd.s32 $0x200, s21  }
0x36: {  	_ =	sdelay $0x2  }
0x37: {  	[tilespmem:s20+$0xFFFFFFD0] =	vst v5  }
0x38: {  	v56 =	vld.idx.msk [tilespmem:v0+s19+$0x30 ss:$0x1], $0xffff;
	[tilespmem:s20+$0xFFFFFFE0] =	vst v4  }
0x39: {  	v57 =	vld.idx.msk [tilespmem:v0+s19+$0xFFFFFFC0 ss:$0x1], $0xffff;
	[tilespmem:s20+$0xFFFFFFF0] =	vst v3  }
0x3a: {  	v58 =	vld.idx.msk [tilespmem:v0+s19+$0xFFFFFFD0 ss:$0x1], $0xffff;
	[tilespmem:s20+$0x0] =	vst v1  }
0x3b: {  	v59 =	vld.idx.msk [tilespmem:v0+s19+$0xFFFFFFE0 ss:$0x1], $0xffff;
	[tilespmem:s20+$0x10] =	vst v2  }
0x3c: {  	v60 =	vld.idx.msk [tilespmem:v0+s19+$0xFFFFFFF0 ss:$0x1], $0xffff;
	s31 =	sadd.s32 $0x400, s20;
	[tilespmem:s20+$0x20] =	vst v6  }
0x3d: {  	v61 =	vld.idx.msk [tilespmem:v0+s19+$0x0 ss:$0x1], $0xffff;
	[tilespmem:s31+$0x30] =	vst v56  }
0x3e: {  	v62 =	vld.idx.msk [tilespmem:v0+s19+$0x10 ss:$0x1], $0xffff;
	s18 =	sadd.s32 $0x1, s18;
	[tilespmem:s31+$0xFFFFFFC0] =	vst v57  }
0x3f: {  	v63 =	vld.idx.msk [tilespmem:v0+s19+$0x20 ss:$0x1], $0xffff;
	p1 =	sne.s32 s18, $0x8;
	[tilespmem:s31+$0xFFFFFFD0] =	vst v58  }
.Ltmp4:
0x40: {  	[tilespmem:s31+$0xFFFFFFE0] =	vst v59;
	(pc) =	sbr.rel @p1 .LBB1_4-.Ltmp4, $4  }
0x41: {  	[tilespmem:s31+$0xFFFFFFF0] =	vst v60  }
0x42: {  	[tilespmem:s31+$0x0] =	vst v61  }
0x43: {  	[tilespmem:s31+$0x10] =	vst v62  }
0x44: {  	s16 =	sadd.s32 $0x80, s16;
	s17 =	sadd.s32 $0x400, s17;
	[tilespmem:s31+$0x20] =	vst v63  }
.Ltmp5:
0x45: {  	(pc) =	sbr.rel @p0 .LBB1_3-.Ltmp5, $2  }
0x46: {  	_ =	sdelay $0x2  }
0x47: {  	s16 =	simm.s32 $0x2000;
	p1 =	por $0x0, $0x0  }
.Ltmp6:
0x48: {  	(pc) =	sbr.rel .LBB1_9-.Ltmp6, $4  }
0x49: {  	_ = 	snop  }
0x4a: {  	s12 =	sshll.u32 s12, $0xA  }
0x4b: {  	s12 =	sadd.s32 s2, s12  }
0x4c: {  	[hbm4b:s12+s8] =	stream.linear.scatter [tilespmem:s13], [sflag:$0x2], $0x4000, $0x38;
	[tilespmem:$0x10000] =	vst v63  }
.LBB1_10:
0x4d: {  	_ =	sfence.sel $0x180000  }
0x4e: {  	s2 =	simm.s32 $0x1;
	[bflag:$0x0] =	sbarrier.arrive $0xFFFF  }
0x4f: {  	s31 =	simm.s32 $0x2;
	[sflag:s2] =	ssyncpa.u1 $0x1  }
0x50: {  	[sflag:s31] =	ssyncpa.u1 $0x1  }
0x51: {  	p0 =	sne.s32 s0, $0x0;
	_ =	strace $0x9000004D  }
0x52: {  	s0 =	sadd.s32 @!p0 $0x100000, s1;
	[bflag:$0x2] =	sbarrier.arrive $0xFFFF  }
0x53: {  	[sflag:s0] =	ssyncadd.tile.s32 @!p0 $0x1;
	_ =	shalt  }
.Lfunc_end1:
_tile_overlayer_lowered:
.L_overlay_start_2:
0x54: {  	(tag) =	ssettag $0x2  }
0x55: {  	s0 =	rddreg [dreg:$0x0];
	s2 =	stileid.u32  }
0x56: {  	s1 =	rddreg [dreg:$0x1];
	p0 =	sne.s32 s2, $0x0  }
0x57: {  	s3 =	rddreg [dreg:$0x2];
	[bflag:$0x3] =	sbarrier.arrive $0xFFFF;
	s2 =	simm.s32 @!p0 $0x1C01  }
0x58: {  	[timem:s3], [sflag:s2] =	dma.local @!p0 [hbm:s0], s1  }
0x59: {  	s0 =	simm.s32 @!p0 $0x1  }
0x5a: {  	_ =	swait.ge @!p0 [sflag:s0], s1  }
0x5b: {  	s1 =	ssub.s32 @!p0 $0x0, s1;
	[sflag:s0] =	ssyncset.done @!p0 $0x0  }
0x5c: {  	[sflag:s0] =	ssyncadd.s32 @!p0 s1  }
0x5d: {  	[bflag:$0x3] =	sbarrier.arrive $0xFFFF  }
0x5e: {  	_ =	shalt  }

</sc_bundles>
